<compile_context>
chip_gen: v7x
topology: tpu7x:2x2x1
jax: 0.10.2.dev20260603
libtpu: 0.0.44.dev20260713+nightly
codegen_flags: <defaults>
</compile_context>

<pallas_src>
import functools
import math

import jax
import jax.numpy as jnp
from jax import lax
from jax.experimental import pallas as pl
from jax.experimental.pallas import tpu as pltpu
from jax.experimental.pallas import tpu_sc as plsc

D_MODEL = 64
D_PAD = 128
SCALE = math.sqrt(D_MODEL)

NUM_CORES = 2
NUM_SUBCORES = 16
NUM_WORKERS = NUM_CORES * NUM_SUBCORES

SEQ = 200
SPLIT_A = 104
SPLIT_B = SEQ - SPLIT_A


def _emb_body(
    x_hbm,
    table_hbm,
    out_hbm,
    idx_v,
    g0,
    g1,
    o0,
    o1,
    gs0,
    gs1,
    os0,
    os1,
    *,
    sents_per_worker,
):
    wid = lax.axis_index("s") * NUM_CORES + lax.axis_index("c")
    sent0 = wid * sents_per_worker
    idx0 = wid * (sents_per_worker * SEQ)

    def fire_gather(s_local, gbuf, gsem):
        base = s_local * SEQ
        pltpu.async_copy(
            table_hbm.at[idx_v.at[pl.ds(base, SPLIT_A)]],
            gbuf.at[pl.ds(0, SPLIT_A)],
            gsem,
        )
        pltpu.async_copy(
            table_hbm.at[idx_v.at[pl.ds(base + SPLIT_A, SPLIT_B)]],
            gbuf.at[pl.ds(SPLIT_A, SPLIT_B)],
            gsem,
        )

    def wait_gather(s_local, gbuf, gsem):
        base = s_local * SEQ
        pltpu.make_async_copy(
            table_hbm.at[idx_v.at[pl.ds(base, SPLIT_A)]],
            gbuf.at[pl.ds(0, SPLIT_A)],
            gsem,
        ).wait()
        pltpu.make_async_copy(
            table_hbm.at[idx_v.at[pl.ds(base + SPLIT_A, SPLIT_B)]],
            gbuf.at[pl.ds(SPLIT_A, SPLIT_B)],
            gsem,
        ).wait()

    pltpu.sync_copy(x_hbm.at[pl.ds(idx0, sents_per_worker * SEQ)], idx_v)

    fire_gather(0, g0, gs0)

    def pair_body(p, carry):
        for b in (0, 1):
            s = 2 * p + b
            gbuf, gsem = (g0, gs0) if b == 0 else (g1, gs1)
            nbuf, nsem = (g1, gs1) if b == 0 else (g0, gs0)
            obuf, osem = (o0, os0) if b == 0 else (o1, os1)

            @pl.when(s + 1 < sents_per_worker)
            def _():
                fire_gather(s + 1, nbuf, nsem)

            wait_gather(s, gbuf, gsem)

            @pl.when(s >= 2)
            def _():
                pltpu.make_async_copy(obuf, out_hbm.at[sent0 + s - 2], osem).wait()

            @plsc.parallel_loop(0, SEQ, unroll=8)
            def _scale_row(r):
                for c in range(D_MODEL // 16):
                    sl = pl.ds(c * 16, 16)
                    obuf[r, sl] = gbuf[r, sl] * SCALE

            pltpu.async_copy(obuf, out_hbm.at[sent0 + s], osem)
        return carry

    lax.fori_loop(0, sents_per_worker // 2, pair_body, 0)

    pltpu.make_async_copy(
        o0, out_hbm.at[sent0 + sents_per_worker - 2], os0
    ).wait()
    pltpu.make_async_copy(
        o1, out_hbm.at[sent0 + sents_per_worker - 1], os1
    ).wait()


@jax.jit
def kernel(x, table):
    n_sent, seq = x.shape
    assert seq == SEQ and n_sent % NUM_WORKERS == 0
    sents_per_worker = n_sent // NUM_WORKERS

    table_wide = jnp.pad(table, ((0, 0), (0, D_PAD - D_MODEL)))
    x_flat = x.reshape(-1)

    mesh = plsc.VectorSubcoreMesh(core_axis_name="c", subcore_axis_name="s")
    out = pl.kernel(
        functools.partial(_emb_body, sents_per_worker=sents_per_worker),
        mesh=mesh,
        out_type=jax.ShapeDtypeStruct((n_sent, SEQ, D_MODEL), jnp.float32),
        scratch_types=[
            pltpu.VMEM((sents_per_worker * SEQ,), jnp.int32),
            pltpu.VMEM((SEQ, D_PAD), jnp.float32),
            pltpu.VMEM((SEQ, D_PAD), jnp.float32),
            pltpu.VMEM((SEQ, D_MODEL), jnp.float32),
            pltpu.VMEM((SEQ, D_MODEL), jnp.float32),
            pltpu.SemaphoreType.DMA,
            pltpu.SemaphoreType.DMA,
            pltpu.SemaphoreType.DMA,
            pltpu.SemaphoreType.DMA,
        ],
    )(x_flat, table_wide)
    return out

# --- scband reference (transcript-rebuilt; emitter-appended) ---
"""Pipeline reference for scband-token-embedding-48842368090202 (READ-ONLY COPY).

The authoritative reference and input builder live on the scoring server;
editing this copy changes nothing except your own understanding.
"""

import jax, jax.numpy as jnp
import numpy as np
import math

VOCAB = 1000000
D_MODEL = 64
PADDING_IDX = 0
SCALE = math.sqrt(D_MODEL)


def setup_inputs(seed: int = 0) -> dict:
    key = jax.random.key(seed)
    k1, k2 = jax.random.split(key)
    x = jax.random.randint(k1, (4096, 200), 0, VOCAB, dtype=jnp.int32)
    # embedding table init: normal(0, d_model**-0.5), padding row zeroed
    table = jax.random.normal(k2, (VOCAB, D_MODEL), dtype=jnp.float32) * (D_MODEL ** -0.5)
    table = table.at[PADDING_IDX].set(0.0)
    return {"x": x, "table": table}


def reference(x, table):
    # gather rows of the embedding table and scale by sqrt(d_model)
    emb = jnp.take(table, x, axis=0)
    return emb * SCALE

if __name__ == "__main__":
    import jax
    _d = setup_inputs()
    print(jax.jit(kernel)(*tuple(_d.values())))

</pallas_src>

<mosaic_0001>
#map = affine_map<(d0, d1) -> (0)>
#map1 = affine_map<(d0, d1) -> (0, 0)>
#map2 = affine_map<(d0, d1) -> (0, 0, 0)>
module attributes {stable_mosaic.version = 14 : i64} {
  func.func @_emb_body(%arg0: i32, %arg1: i32, %arg2: memref<819200xi32, #tpu.memory_space<hbm>>, %arg3: memref<1000000x128xf32, #tpu.memory_space<hbm>>, %arg4: memref<4096x200x64xf32, #tpu.memory_space<hbm>>, %arg5: memref<25600xi32, #tpu.memory_space<vmem>>, %arg6: memref<200x128xf32, #tpu.memory_space<vmem>>, %arg7: memref<200x128xf32, #tpu.memory_space<vmem>>, %arg8: memref<200x64xf32, #tpu.memory_space<vmem>>, %arg9: memref<200x64xf32, #tpu.memory_space<vmem>>, %arg10: memref<!tpu.dma_semaphore, #tpu.memory_space<semaphore_mem>>, %arg11: memref<!tpu.dma_semaphore, #tpu.memory_space<semaphore_mem>>, %arg12: memref<!tpu.dma_semaphore, #tpu.memory_space<semaphore_mem>>, %arg13: memref<!tpu.dma_semaphore, #tpu.memory_space<semaphore_mem>>) attributes {dimension_semantics = [#tpu.dimension_semantics<core_parallel>, #tpu.dimension_semantics<subcore_parallel>], iteration_bounds = array<i64: 2, 16>, scalar_prefetch = 0 : i64, scratch_operands = 9 : i64, tpu.core_type = #tpu.core_type<sc_vector_subcore>, window_params = [{transform_indices = #map}, {transform_indices = #map1}, {transform_indices = #map2}]} {
    %mul3A = arith.constant 2 : i32
    %mul3A_0 = arith.muli %arg1, %mul3A : i32
    %add3A = arith.addi %mul3A_0, %arg0 : i32
    %mul3A_1 = arith.constant 128 : i32
    %mul3A_2 = arith.muli %add3A, %mul3A_1 : i32
    %mul3A_3 = arith.constant 25600 : i32
    %mul3A_4 = arith.muli %add3A, %mul3A_3 : i32
    "tpu.region"() ({
      %run_scoped3A = tpu.sem_alloc : memref<!tpu.dma_semaphore, #tpu.memory_space<semaphore_mem>>
      %dma_start3A_47 = tpu.memref_slice %arg2[%mul3A_4] : memref<819200xi32, #tpu.memory_space<hbm>> -> memref<25600xi32, #tpu.memory_space<hbm>>
      %dma_start3A_48 = tpu.memref_slice %arg2[%mul3A_4] : memref<819200xi32, #tpu.memory_space<hbm>> -> memref<25600xi32, #tpu.memory_space<hbm>>
      tpu.enqueue_dma source(%dma_start3A_48 : memref<25600xi32, #tpu.memory_space<hbm>>) target(%arg5 : memref<25600xi32, #tpu.memory_space<vmem>>) target_semaphore(%run_scoped3A : memref<!tpu.dma_semaphore, #tpu.memory_space<semaphore_mem>>)
      %dma_wait3A_49 = tpu.memref_slice %arg2[%mul3A_4] : memref<819200xi32, #tpu.memory_space<hbm>> -> memref<25600xi32, #tpu.memory_space<hbm>>
      %dma_wait3A_50 = tpu.memref_slice %arg2[%mul3A_4] : memref<819200xi32, #tpu.memory_space<hbm>> -> memref<25600xi32, #tpu.memory_space<hbm>>
      tpu.wait_dma2 semaphore(%run_scoped3A : memref<!tpu.dma_semaphore, #tpu.memory_space<semaphore_mem>>) src(%dma_wait3A_50 : memref<25600xi32, #tpu.memory_space<hbm>>) dst(%arg5 : memref<25600xi32, #tpu.memory_space<vmem>>)
      tpu.yield
    }) : () -> ()
    %dma_start3A = arith.constant 0 : i32
    %dma_start3A_5 = arith.constant 0 : i32
    %dma_start3A_6 = tpu.memref_slice %arg6[%dma_start3A, %dma_start3A_5] : memref<200x128xf32, #tpu.memory_space<vmem>> -> memref<104x128xf32, #tpu.memory_space<vmem>>
    %dma_start3A_7 = arith.constant 0 : i32
    %dma_start3A_8 = tpu.memref_slice %arg5[%dma_start3A_7] : memref<25600xi32, #tpu.memory_space<vmem>> -> memref<104xi32, #tpu.memory_space<vmem>>
    %dma_start3A_9 = arith.constant 0 : i32
    %dma_start3A_10 = arith.constant 0 : i32
    %dma_start3A_11 = tpu.memref_slice %arg3[%dma_start3A_9, %dma_start3A_10] : memref<1000000x128xf32, #tpu.memory_space<hbm>> -> memref<1000000x128xf32, #tpu.memory_space<hbm>>
    tpu.enqueue_indirect_dma source(%dma_start3A_11 : memref<1000000x128xf32, #tpu.memory_space<hbm>>) target(%dma_start3A_6 : memref<104x128xf32, #tpu.memory_space<vmem>>) offsets(%dma_start3A_8 : memref<104xi32, #tpu.memory_space<vmem>>) semaphore(%arg10 : memref<!tpu.dma_semaphore, #tpu.memory_space<semaphore_mem>>)
    %dma_start3A_12 = arith.constant 104 : i32
    %dma_start3A_13 = arith.constant 0 : i32
    %dma_start3A_14 = tpu.memref_slice %arg6[%dma_start3A_12, %dma_start3A_13] : memref<200x128xf32, #tpu.memory_space<vmem>> -> memref<96x128xf32, #tpu.memory_space<vmem>>
    %dma_start3A_15 = arith.constant 104 : i32
    %dma_start3A_16 = tpu.memref_slice %arg5[%dma_start3A_15] : memref<25600xi32, #tpu.memory_space<vmem>> -> memref<96xi32, #tpu.memory_space<vmem>>
    %dma_start3A_17 = arith.constant 0 : i32
    %dma_start3A_18 = arith.constant 0 : i32
    %dma_start3A_19 = tpu.memref_slice %arg3[%dma_start3A_17, %dma_start3A_18] : memref<1000000x128xf32, #tpu.memory_space<hbm>> -> memref<1000000x128xf32, #tpu.memory_space<hbm>>
    tpu.enqueue_indirect_dma source(%dma_start3A_19 : memref<1000000x128xf32, #tpu.memory_space<hbm>>) target(%dma_start3A_14 : memref<96x128xf32, #tpu.memory_space<vmem>>) offsets(%dma_start3A_16 : memref<96xi32, #tpu.memory_space<vmem>>) semaphore(%arg10 : memref<!tpu.dma_semaphore, #tpu.memory_space<semaphore_mem>>)
    %scan3A = arith.constant 0 : i32
    %scan3A_20 = arith.constant 0 : i32
    %scan3A_21 = arith.constant 64 : i32
    %scan3A_22 = arith.addi %scan3A_20, %scan3A_21 : i32
    %scan3A_23 = arith.constant 1 : i32
    scf.for %scan3A_47 = %scan3A_20 to %scan3A_22 step %scan3A_23  : i32 {
      %mul3A_48 = arith.constant 2 : i32
      %mul3A_49 = arith.muli %mul3A_48, %scan3A_47 : i32
      %add3A_50 = arith.constant 0 : i32
      %add3A_51 = arith.addi %mul3A_49, %add3A_50 : i32
      %add3A_52 = arith.constant 1 : i32
      %add3A_53 = arith.addi %add3A_51, %add3A_52 : i32
      %lt3A = arith.constant 128 : i32
      %lt3A_54 = arith.cmpi slt, %add3A_53, %lt3A : i32
      %convert_element_type3A = arith.extui %lt3A_54 : i1 to i32
      %cond3A = arith.constant 0 : i32
      %cond3A_55 = arith.cmpi ne, %convert_element_type3A, %cond3A : i32
      scf.if %cond3A_55 {
        %add3A_135 = arith.constant 1 : i32
        %add3A_136 = arith.addi %add3A_51, %add3A_135 : i32
        %mul3A_137 = arith.constant 200 : i32
        %mul3A_138 = arith.muli %add3A_136, %mul3A_137 : i32
        %dma_start3A_139 = arith.constant 0 : i32
        %dma_start3A_140 = arith.constant 0 : i32
        %dma_start3A_141 = tpu.memref_slice %arg7[%dma_start3A_139, %dma_start3A_140] : memref<200x128xf32, #tpu.memory_space<vmem>> -> memref<104x128xf32, #tpu.memory_space<vmem>>
        %dma_start3A_142 = tpu.memref_slice %arg5[%mul3A_138] : memref<25600xi32, #tpu.memory_space<vmem>> -> memref<104xi32, #tpu.memory_space<vmem>>
        %dma_start3A_143 = arith.constant 0 : i32
        %dma_start3A_144 = arith.constant 0 : i32
        %dma_start3A_145 = tpu.memref_slice %arg3[%dma_start3A_143, %dma_start3A_144] : memref<1000000x128xf32, #tpu.memory_space<hbm>> -> memref<1000000x128xf32, #tpu.memory_space<hbm>>
        tpu.enqueue_indirect_dma source(%dma_start3A_145 : memref<1000000x128xf32, #tpu.memory_space<hbm>>) target(%dma_start3A_141 : memref<104x128xf32, #tpu.memory_space<vmem>>) offsets(%dma_start3A_142 : memref<104xi32, #tpu.memory_space<vmem>>) semaphore(%arg11 : memref<!tpu.dma_semaphore, #tpu.memory_space<semaphore_mem>>)
        %add3A_146 = arith.constant 104 : i32
        %add3A_147 = arith.addi %mul3A_138, %add3A_146 : i32
        %dma_start3A_148 = arith.constant 104 : i32
        %dma_start3A_149 = arith.constant 0 : i32
        %dma_start3A_150 = tpu.memref_slice %arg7[%dma_start3A_148, %dma_start3A_149] : memref<200x128xf32, #tpu.memory_space<vmem>> -> memref<96x128xf32, #tpu.memory_space<vmem>>
        %dma_start3A_151 = tpu.memref_slice %arg5[%add3A_147] : memref<25600xi32, #tpu.memory_space<vmem>> -> memref<96xi32, #tpu.memory_space<vmem>>
        %dma_start3A_152 = arith.constant 0 : i32
        %dma_start3A_153 = arith.constant 0 : i32
        %dma_start3A_154 = tpu.memref_slice %arg3[%dma_start3A_152, %dma_start3A_153] : memref<1000000x128xf32, #tpu.memory_space<hbm>> -> memref<1000000x128xf32, #tpu.memory_space<hbm>>
        tpu.enqueue_indirect_dma source(%dma_start3A_154 : memref<1000000x128xf32, #tpu.memory_space<hbm>>) target(%dma_start3A_150 : memref<96x128xf32, #tpu.memory_space<vmem>>) offsets(%dma_start3A_151 : memref<96xi32, #tpu.memory_space<vmem>>) semaphore(%arg11 : memref<!tpu.dma_semaphore, #tpu.memory_space<semaphore_mem>>)
      } else {
      }
      %mul3A_56 = arith.constant 200 : i32
      %mul3A_57 = arith.muli %add3A_51, %mul3A_56 : i32
      %dma_wait3A_58 = arith.constant 0 : i32
      %dma_wait3A_59 = arith.constant 0 : i32
      %dma_wait3A_60 = tpu.memref_slice %arg6[%dma_wait3A_58, %dma_wait3A_59] : memref<200x128xf32, #tpu.memory_space<vmem>> -> memref<104x128xf32, #tpu.memory_space<vmem>>
      %dma_wait3A_61 = tpu.memref_slice %arg5[%mul3A_57] : memref<25600xi32, #tpu.memory_space<vmem>> -> memref<104xi32, #tpu.memory_space<vmem>>
      %dma_wait3A_62 = arith.constant 0 : i32
      %dma_wait3A_63 = arith.constant 0 : i32
      %dma_wait3A_64 = tpu.memref_slice %arg3[%dma_wait3A_62, %dma_wait3A_63] : memref<1000000x128xf32, #tpu.memory_space<hbm>> -> memref<1000000x128xf32, #tpu.memory_space<hbm>>
      tpu.wait_indirect_dma semaphore(%arg10 : memref<!tpu.dma_semaphore, #tpu.memory_space<semaphore_mem>>) src(%dma_wait3A_64 : memref<1000000x128xf32, #tpu.memory_space<hbm>>) dst(%dma_wait3A_60 : memref<104x128xf32, #tpu.memory_space<vmem>>)
      %add3A_65 = arith.constant 104 : i32
      %add3A_66 = arith.addi %mul3A_57, %add3A_65 : i32
      %dma_wait3A_67 = arith.constant 104 : i32
      %dma_wait3A_68 = arith.constant 0 : i32
      %dma_wait3A_69 = tpu.memref_slice %arg6[%dma_wait3A_67, %dma_wait3A_68] : memref<200x128xf32, #tpu.memory_space<vmem>> -> memref<96x128xf32, #tpu.memory_space<vmem>>
      %dma_wait3A_70 = tpu.memref_slice %arg5[%add3A_66] : memref<25600xi32, #tpu.memory_space<vmem>> -> memref<96xi32, #tpu.memory_space<vmem>>
      %dma_wait3A_71 = arith.constant 0 : i32
      %dma_wait3A_72 = arith.constant 0 : i32
      %dma_wait3A_73 = tpu.memref_slice %arg3[%dma_wait3A_71, %dma_wait3A_72] : memref<1000000x128xf32, #tpu.memory_space<hbm>> -> memref<1000000x128xf32, #tpu.memory_space<hbm>>
      tpu.wait_indirect_dma semaphore(%arg10 : memref<!tpu.dma_semaphore, #tpu.memory_space<semaphore_mem>>) src(%dma_wait3A_73 : memref<1000000x128xf32, #tpu.memory_space<hbm>>) dst(%dma_wait3A_69 : memref<96x128xf32, #tpu.memory_space<vmem>>)
      %ge3A = arith.constant 2 : i32
      %ge3A_74 = arith.cmpi sge, %add3A_51, %ge3A : i32
      %convert_element_type3A_75 = arith.extui %ge3A_74 : i1 to i32
      %cond3A_76 = arith.constant 0 : i32
      %cond3A_77 = arith.cmpi ne, %convert_element_type3A_75, %cond3A_76 : i32
      scf.if %cond3A_77 {
        %add3A_135 = arith.addi %mul3A_2, %add3A_51 : i32
        %sub3A_136 = arith.constant 2 : i32
        %sub3A_137 = arith.subi %add3A_135, %sub3A_136 : i32
        %dma_wait3A_138 = arith.constant 0 : i32
        %dma_wait3A_139 = arith.constant 0 : i32
        %dma_wait3A_140 = tpu.memref_slice %arg4[%sub3A_137, %dma_wait3A_138, %dma_wait3A_139] : memref<4096x200x64xf32, #tpu.memory_space<hbm>> -> memref<1x200x64xf32, #tpu.memory_space<hbm>>
        %dma_wait3A_141 = tpu.memref_squeeze %dma_wait3A_140 : memref<1x200x64xf32, #tpu.memory_space<hbm>> -> memref<200x64xf32, #tpu.memory_space<hbm>>
        %dma_wait3A_142 = arith.constant 0 : i32
        %dma_wait3A_143 = arith.constant 0 : i32
        %dma_wait3A_144 = tpu.memref_slice %arg4[%sub3A_137, %dma_wait3A_142, %dma_wait3A_143] : memref<4096x200x64xf32, #tpu.memory_space<hbm>> -> memref<1x200x64xf32, #tpu.memory_space<hbm>>
        %dma_wait3A_145 = tpu.memref_squeeze %dma_wait3A_144 : memref<1x200x64xf32, #tpu.memory_space<hbm>> -> memref<200x64xf32, #tpu.memory_space<hbm>>
        tpu.wait_dma2 semaphore(%arg12 : memref<!tpu.dma_semaphore, #tpu.memory_space<semaphore_mem>>) src(%arg8 : memref<200x64xf32, #tpu.memory_space<vmem>>) dst(%dma_wait3A_145 : memref<200x64xf32, #tpu.memory_space<hbm>>)
      } else {
      }
      %parallel_loop3A = arith.constant 0 : i32
      %parallel_loop3A_78 = arith.constant 200 : i32
      %parallel_loop3A_79 = arith.constant 1 : i32
      scf.for %parallel_loop3A_135 = %parallel_loop3A to %parallel_loop3A_78 step %parallel_loop3A_79  : i32 {
        %parallel_loop3A_136 = arith.index_cast %parallel_loop3A_135 : i32 to index
        %parallel_loop3A_137 = arith.constant 0 : index
        %parallel_loop3A_138 = tpu.vector_load %arg6[%parallel_loop3A_136, %parallel_loop3A_137] {strides = array<i32>} : memref<200x128xf32, #tpu.memory_space<vmem>>, vector<1x16xf32>,
        %parallel_loop3A_139 = vector.shape_cast %parallel_loop3A_138 : vector<1x16xf32> to vector<16xf32>
        %parallel_loop3A_140 = arith.constant 8.000000e+00 : f32
        %parallel_loop3A_141 = vector.broadcast %parallel_loop3A_140 : f32 to vector<16xf32>
        %parallel_loop3A_142 = arith.mulf %parallel_loop3A_139, %parallel_loop3A_141 : vector<16xf32>
        %parallel_loop3A_143 = arith.index_cast %parallel_loop3A_135 : i32 to index
        %parallel_loop3A_144 = arith.constant 0 : index
        %parallel_loop3A_145 = tpu.vector_load %arg8[%parallel_loop3A_143, %parallel_loop3A_144] {strides = array<i32>} : memref<200x64xf32, #tpu.memory_space<vmem>>, vector<1x16xf32>,
        %parallel_loop3A_146 = vector.shape_cast %parallel_loop3A_145 : vector<1x16xf32> to vector<16xf32>
        %parallel_loop3A_147 = vector.shape_cast %parallel_loop3A_142 : vector<16xf32> to vector<1x16xf32>
        tpu.vector_store %arg8[%parallel_loop3A_143, %parallel_loop3A_144], %parallel_loop3A_147 {strides = array<i32>} : memref<200x64xf32, #tpu.memory_space<vmem>>, vector<1x16xf32>,
        %parallel_loop3A_148 = arith.index_cast %parallel_loop3A_135 : i32 to index
        %parallel_loop3A_149 = arith.constant 16 : index
        %parallel_loop3A_150 = tpu.vector_load %arg6[%parallel_loop3A_148, %parallel_loop3A_149] {strides = array<i32>} : memref<200x128xf32, #tpu.memory_space<vmem>>, vector<1x16xf32>,
        %parallel_loop3A_151 = vector.shape_cast %parallel_loop3A_150 : vector<1x16xf32> to vector<16xf32>
        %parallel_loop3A_152 = arith.constant 8.000000e+00 : f32
        %parallel_loop3A_153 = vector.broadcast %parallel_loop3A_152 : f32 to vector<16xf32>
        %parallel_loop3A_154 = arith.mulf %parallel_loop3A_151, %parallel_loop3A_153 : vector<16xf32>
        %parallel_loop3A_155 = arith.index_cast %parallel_loop3A_135 : i32 to index
        %parallel_loop3A_156 = arith.constant 16 : index
        %parallel_loop3A_157 = tpu.vector_load %arg8[%parallel_loop3A_155, %parallel_loop3A_156] {strides = array<i32>} : memref<200x64xf32, #tpu.memory_space<vmem>>, vector<1x16xf32>,
        %parallel_loop3A_158 = vector.shape_cast %parallel_loop3A_157 : vector<1x16xf32> to vector<16xf32>
        %parallel_loop3A_159 = vector.shape_cast %parallel_loop3A_154 : vector<16xf32> to vector<1x16xf32>
        tpu.vector_store %arg8[%parallel_loop3A_155, %parallel_loop3A_156], %parallel_loop3A_159 {strides = array<i32>} : memref<200x64xf32, #tpu.memory_space<vmem>>, vector<1x16xf32>,
        %parallel_loop3A_160 = arith.index_cast %parallel_loop3A_135 : i32 to index
        %parallel_loop3A_161 = arith.constant 32 : index
        %parallel_loop3A_162 = tpu.vector_load %arg6[%parallel_loop3A_160, %parallel_loop3A_161] {strides = array<i32>} : memref<200x128xf32, #tpu.memory_space<vmem>>, vector<1x16xf32>,
        %parallel_loop3A_163 = vector.shape_cast %parallel_loop3A_162 : vector<1x16xf32> to vector<16xf32>
        %parallel_loop3A_164 = arith.constant 8.000000e+00 : f32
        %parallel_loop3A_165 = vector.broadcast %parallel_loop3A_164 : f32 to vector<16xf32>
        %parallel_loop3A_166 = arith.mulf %parallel_loop3A_163, %parallel_loop3A_165 : vector<16xf32>
        %parallel_loop3A_167 = arith.index_cast %parallel_loop3A_135 : i32 to index
        %parallel_loop3A_168 = arith.constant 32 : index
        %parallel_loop3A_169 = tpu.vector_load %arg8[%parallel_loop3A_167, %parallel_loop3A_168] {strides = array<i32>} : memref<200x64xf32, #tpu.memory_space<vmem>>, vector<1x16xf32>,
        %parallel_loop3A_170 = vector.shape_cast %parallel_loop3A_169 : vector<1x16xf32> to vector<16xf32>
        %parallel_loop3A_171 = vector.shape_cast %parallel_loop3A_166 : vector<16xf32> to vector<1x16xf32>
        tpu.vector_store %arg8[%parallel_loop3A_167, %parallel_loop3A_168], %parallel_loop3A_171 {strides = array<i32>} : memref<200x64xf32, #tpu.memory_space<vmem>>, vector<1x16xf32>,
        %parallel_loop3A_172 = arith.index_cast %parallel_loop3A_135 : i32 to index
        %parallel_loop3A_173 = arith.constant 48 : index
        %parallel_loop3A_174 = tpu.vector_load %arg6[%parallel_loop3A_172, %parallel_loop3A_173] {strides = array<i32>} : memref<200x128xf32, #tpu.memory_space<vmem>>, vector<1x16xf32>,
        %parallel_loop3A_175 = vector.shape_cast %parallel_loop3A_174 : vector<1x16xf32> to vector<16xf32>
        %parallel_loop3A_176 = arith.constant 8.000000e+00 : f32
        %parallel_loop3A_177 = vector.broadcast %parallel_loop3A_176 : f32 to vector<16xf32>
        %parallel_loop3A_178 = arith.mulf %parallel_loop3A_175, %parallel_loop3A_177 : vector<16xf32>
        %parallel_loop3A_179 = arith.index_cast %parallel_loop3A_135 : i32 to index
        %parallel_loop3A_180 = arith.constant 48 : index
        %parallel_loop3A_181 = tpu.vector_load %arg8[%parallel_loop3A_179, %parallel_loop3A_180] {strides = array<i32>} : memref<200x64xf32, #tpu.memory_space<vmem>>, vector<1x16xf32>,
        %parallel_loop3A_182 = vector.shape_cast %parallel_loop3A_181 : vector<1x16xf32> to vector<16xf32>
        %parallel_loop3A_183 = vector.shape_cast %parallel_loop3A_178 : vector<16xf32> to vector<1x16xf32>
        tpu.vector_store %arg8[%parallel_loop3A_179, %parallel_loop3A_180], %parallel_loop3A_183 {strides = array<i32>} : memref<200x64xf32, #tpu.memory_space<vmem>>, vector<1x16xf32>,
      } {sc.loop_unroll_factor = 8 : i64, sc.parallel_access}
      %add3A_80 = arith.addi %mul3A_2, %add3A_51 : i32
      %dma_start3A_81 = arith.constant 0 : i32
      %dma_start3A_82 = arith.constant 0 : i32
      %dma_start3A_83 = tpu.memref_slice %arg4[%add3A_80, %dma_start3A_81, %dma_start3A_82] : memref<4096x200x64xf32, #tpu.memory_space<hbm>> -> memref<1x200x64xf32, #tpu.memory_space<hbm>>
      %dma_start3A_84 = tpu.memref_squeeze %dma_start3A_83 : memref<1x200x64xf32, #tpu.memory_space<hbm>> -> memref<200x64xf32, #tpu.memory_space<hbm>>
      %dma_start3A_85 = arith.constant 0 : i32
      %dma_start3A_86 = arith.constant 0 : i32
      %dma_start3A_87 = tpu.memref_slice %arg4[%add3A_80, %dma_start3A_85, %dma_start3A_86] : memref<4096x200x64xf32, #tpu.memory_space<hbm>> -> memref<1x200x64xf32, #tpu.memory_space<hbm>>
      %dma_start3A_88 = tpu.memref_squeeze %dma_start3A_87 : memref<1x200x64xf32, #tpu.memory_space<hbm>> -> memref<200x64xf32, #tpu.memory_space<hbm>>
      tpu.enqueue_dma source(%arg8 : memref<200x64xf32, #tpu.memory_space<vmem>>) target(%dma_start3A_88 : memref<200x64xf32, #tpu.memory_space<hbm>>) target_semaphore(%arg12 : memref<!tpu.dma_semaphore, #tpu.memory_space<semaphore_mem>>)
      %mul3A_89 = arith.constant 2 : i32
      %mul3A_90 = arith.muli %mul3A_89, %scan3A_47 : i32
      %add3A_91 = arith.constant 1 : i32
      %add3A_92 = arith.addi %mul3A_90, %add3A_91 : i32
      %add3A_93 = arith.constant 1 : i32
      %add3A_94 = arith.addi %add3A_92, %add3A_93 : i32
      %lt3A_95 = arith.constant 128 : i32
      %lt3A_96 = arith.cmpi slt, %add3A_94, %lt3A_95 : i32
      %convert_element_type3A_97 = arith.extui %lt3A_96 : i1 to i32
      %cond3A_98 = arith.constant 0 : i32
      %cond3A_99 = arith.cmpi ne, %convert_element_type3A_97, %cond3A_98 : i32
      scf.if %cond3A_99 {
        %add3A_135 = arith.constant 1 : i32
        %add3A_136 = arith.addi %add3A_92, %add3A_135 : i32
        %mul3A_137 = arith.constant 200 : i32
        %mul3A_138 = arith.muli %add3A_136, %mul3A_137 : i32
        %dma_start3A_139 = arith.constant 0 : i32
        %dma_start3A_140 = arith.constant 0 : i32
        %dma_start3A_141 = tpu.memref_slice %arg6[%dma_start3A_139, %dma_start3A_140] : memref<200x128xf32, #tpu.memory_space<vmem>> -> memref<104x128xf32, #tpu.memory_space<vmem>>
        %dma_start3A_142 = tpu.memref_slice %arg5[%mul3A_138] : memref<25600xi32, #tpu.memory_space<vmem>> -> memref<104xi32, #tpu.memory_space<vmem>>
        %dma_start3A_143 = arith.constant 0 : i32
        %dma_start3A_144 = arith.constant 0 : i32
        %dma_start3A_145 = tpu.memref_slice %arg3[%dma_start3A_143, %dma_start3A_144] : memref<1000000x128xf32, #tpu.memory_space<hbm>> -> memref<1000000x128xf32, #tpu.memory_space<hbm>>
        tpu.enqueue_indirect_dma source(%dma_start3A_145 : memref<1000000x128xf32, #tpu.memory_space<hbm>>) target(%dma_start3A_141 : memref<104x128xf32, #tpu.memory_space<vmem>>) offsets(%dma_start3A_142 : memref<104xi32, #tpu.memory_space<vmem>>) semaphore(%arg10 : memref<!tpu.dma_semaphore, #tpu.memory_space<semaphore_mem>>)
        %add3A_146 = arith.constant 104 : i32
        %add3A_147 = arith.addi %mul3A_138, %add3A_146 : i32
        %dma_start3A_148 = arith.constant 104 : i32
        %dma_start3A_149 = arith.constant 0 : i32
        %dma_start3A_150 = tpu.memref_slice %arg6[%dma_start3A_148, %dma_start3A_149] : memref<200x128xf32, #tpu.memory_space<vmem>> -> memref<96x128xf32, #tpu.memory_space<vmem>>
        %dma_start3A_151 = tpu.memref_slice %arg5[%add3A_147] : memref<25600xi32, #tpu.memory_space<vmem>> -> memref<96xi32, #tpu.memory_space<vmem>>
        %dma_start3A_152 = arith.constant 0 : i32
        %dma_start3A_153 = arith.constant 0 : i32
        %dma_start3A_154 = tpu.memref_slice %arg3[%dma_start3A_152, %dma_start3A_153] : memref<1000000x128xf32, #tpu.memory_space<hbm>> -> memref<1000000x128xf32, #tpu.memory_space<hbm>>
        tpu.enqueue_indirect_dma source(%dma_start3A_154 : memref<1000000x128xf32, #tpu.memory_space<hbm>>) target(%dma_start3A_150 : memref<96x128xf32, #tpu.memory_space<vmem>>) offsets(%dma_start3A_151 : memref<96xi32, #tpu.memory_space<vmem>>) semaphore(%arg10 : memref<!tpu.dma_semaphore, #tpu.memory_space<semaphore_mem>>)
      } else {
      }
      %mul3A_100 = arith.constant 200 : i32
      %mul3A_101 = arith.muli %add3A_92, %mul3A_100 : i32
      %dma_wait3A_102 = arith.constant 0 : i32
      %dma_wait3A_103 = arith.constant 0 : i32
      %dma_wait3A_104 = tpu.memref_slice %arg7[%dma_wait3A_102, %dma_wait3A_103] : memref<200x128xf32, #tpu.memory_space<vmem>> -> memref<104x128xf32, #tpu.memory_space<vmem>>
      %dma_wait3A_105 = tpu.memref_slice %arg5[%mul3A_101] : memref<25600xi32, #tpu.memory_space<vmem>> -> memref<104xi32, #tpu.memory_space<vmem>>
      %dma_wait3A_106 = arith.constant 0 : i32
      %dma_wait3A_107 = arith.constant 0 : i32
      %dma_wait3A_108 = tpu.memref_slice %arg3[%dma_wait3A_106, %dma_wait3A_107] : memref<1000000x128xf32, #tpu.memory_space<hbm>> -> memref<1000000x128xf32, #tpu.memory_space<hbm>>
      tpu.wait_indirect_dma semaphore(%arg11 : memref<!tpu.dma_semaphore, #tpu.memory_space<semaphore_mem>>) src(%dma_wait3A_108 : memref<1000000x128xf32, #tpu.memory_space<hbm>>) dst(%dma_wait3A_104 : memref<104x128xf32, #tpu.memory_space<vmem>>)
      %add3A_109 = arith.constant 104 : i32
      %add3A_110 = arith.addi %mul3A_101, %add3A_109 : i32
      %dma_wait3A_111 = arith.constant 104 : i32
      %dma_wait3A_112 = arith.constant 0 : i32
      %dma_wait3A_113 = tpu.memref_slice %arg7[%dma_wait3A_111, %dma_wait3A_112] : memref<200x128xf32, #tpu.memory_space<vmem>> -> memref<96x128xf32, #tpu.memory_space<vmem>>
      %dma_wait3A_114 = tpu.memref_slice %arg5[%add3A_110] : memref<25600xi32, #tpu.memory_space<vmem>> -> memref<96xi32, #tpu.memory_space<vmem>>
      %dma_wait3A_115 = arith.constant 0 : i32
      %dma_wait3A_116 = arith.constant 0 : i32
      %dma_wait3A_117 = tpu.memref_slice %arg3[%dma_wait3A_115, %dma_wait3A_116] : memref<1000000x128xf32, #tpu.memory_space<hbm>> -> memref<1000000x128xf32, #tpu.memory_space<hbm>>
      tpu.wait_indirect_dma semaphore(%arg11 : memref<!tpu.dma_semaphore, #tpu.memory_space<semaphore_mem>>) src(%dma_wait3A_117 : memref<1000000x128xf32, #tpu.memory_space<hbm>>) dst(%dma_wait3A_113 : memref<96x128xf32, #tpu.memory_space<vmem>>)
      %ge3A_118 = arith.constant 2 : i32
      %ge3A_119 = arith.cmpi sge, %add3A_92, %ge3A_118 : i32
      %convert_element_type3A_120 = arith.extui %ge3A_119 : i1 to i32
      %cond3A_121 = arith.constant 0 : i32
      %cond3A_122 = arith.cmpi ne, %convert_element_type3A_120, %cond3A_121 : i32
      scf.if %cond3A_122 {
        %add3A_135 = arith.addi %mul3A_2, %add3A_92 : i32
        %sub3A_136 = arith.constant 2 : i32
        %sub3A_137 = arith.subi %add3A_135, %sub3A_136 : i32
        %dma_wait3A_138 = arith.constant 0 : i32
        %dma_wait3A_139 = arith.constant 0 : i32
        %dma_wait3A_140 = tpu.memref_slice %arg4[%sub3A_137, %dma_wait3A_138, %dma_wait3A_139] : memref<4096x200x64xf32, #tpu.memory_space<hbm>> -> memref<1x200x64xf32, #tpu.memory_space<hbm>>
        %dma_wait3A_141 = tpu.memref_squeeze %dma_wait3A_140 : memref<1x200x64xf32, #tpu.memory_space<hbm>> -> memref<200x64xf32, #tpu.memory_space<hbm>>
        %dma_wait3A_142 = arith.constant 0 : i32
        %dma_wait3A_143 = arith.constant 0 : i32
        %dma_wait3A_144 = tpu.memref_slice %arg4[%sub3A_137, %dma_wait3A_142, %dma_wait3A_143] : memref<4096x200x64xf32, #tpu.memory_space<hbm>> -> memref<1x200x64xf32, #tpu.memory_space<hbm>>
        %dma_wait3A_145 = tpu.memref_squeeze %dma_wait3A_144 : memref<1x200x64xf32, #tpu.memory_space<hbm>> -> memref<200x64xf32, #tpu.memory_space<hbm>>
        tpu.wait_dma2 semaphore(%arg13 : memref<!tpu.dma_semaphore, #tpu.memory_space<semaphore_mem>>) src(%arg9 : memref<200x64xf32, #tpu.memory_space<vmem>>) dst(%dma_wait3A_145 : memref<200x64xf32, #tpu.memory_space<hbm>>)
      } else {
      }
      %parallel_loop3A_123 = arith.constant 0 : i32
      %parallel_loop3A_124 = arith.constant 200 : i32
      %parallel_loop3A_125 = arith.constant 1 : i32
      scf.for %parallel_loop3A_135 = %parallel_loop3A_123 to %parallel_loop3A_124 step %parallel_loop3A_125  : i32 {
        %parallel_loop3A_136 = arith.index_cast %parallel_loop3A_135 : i32 to index
        %parallel_loop3A_137 = arith.constant 0 : index
        %parallel_loop3A_138 = tpu.vector_load %arg7[%parallel_loop3A_136, %parallel_loop3A_137] {strides = array<i32>} : memref<200x128xf32, #tpu.memory_space<vmem>>, vector<1x16xf32>,
        %parallel_loop3A_139 = vector.shape_cast %parallel_loop3A_138 : vector<1x16xf32> to vector<16xf32>
        %parallel_loop3A_140 = arith.constant 8.000000e+00 : f32
        %parallel_loop3A_141 = vector.broadcast %parallel_loop3A_140 : f32 to vector<16xf32>
        %parallel_loop3A_142 = arith.mulf %parallel_loop3A_139, %parallel_loop3A_141 : vector<16xf32>
        %parallel_loop3A_143 = arith.index_cast %parallel_loop3A_135 : i32 to index
        %parallel_loop3A_144 = arith.constant 0 : index
        %parallel_loop3A_145 = tpu.vector_load %arg9[%parallel_loop3A_143, %parallel_loop3A_144] {strides = array<i32>} : memref<200x64xf32, #tpu.memory_space<vmem>>, vector<1x16xf32>,
        %parallel_loop3A_146 = vector.shape_cast %parallel_loop3A_145 : vector<1x16xf32> to vector<16xf32>
        %parallel_loop3A_147 = vector.shape_cast %parallel_loop3A_142 : vector<16xf32> to vector<1x16xf32>
        tpu.vector_store %arg9[%parallel_loop3A_143, %parallel_loop3A_144], %parallel_loop3A_147 {strides = array<i32>} : memref<200x64xf32, #tpu.memory_space<vmem>>, vector<1x16xf32>,
        %parallel_loop3A_148 = arith.index_cast %parallel_loop3A_135 : i32 to index
        %parallel_loop3A_149 = arith.constant 16 : index
        %parallel_loop3A_150 = tpu.vector_load %arg7[%parallel_loop3A_148, %parallel_loop3A_149] {strides = array<i32>} : memref<200x128xf32, #tpu.memory_space<vmem>>, vector<1x16xf32>,
        %parallel_loop3A_151 = vector.shape_cast %parallel_loop3A_150 : vector<1x16xf32> to vector<16xf32>
        %parallel_loop3A_152 = arith.constant 8.000000e+00 : f32
        %parallel_loop3A_153 = vector.broadcast %parallel_loop3A_152 : f32 to vector<16xf32>
        %parallel_loop3A_154 = arith.mulf %parallel_loop3A_151, %parallel_loop3A_153 : vector<16xf32>
        %parallel_loop3A_155 = arith.index_cast %parallel_loop3A_135 : i32 to index
        %parallel_loop3A_156 = arith.constant 16 : index
        %parallel_loop3A_157 = tpu.vector_load %arg9[%parallel_loop3A_155, %parallel_loop3A_156] {strides = array<i32>} : memref<200x64xf32, #tpu.memory_space<vmem>>, vector<1x16xf32>,
        %parallel_loop3A_158 = vector.shape_cast %parallel_loop3A_157 : vector<1x16xf32> to vector<16xf32>
        %parallel_loop3A_159 = vector.shape_cast %parallel_loop3A_154 : vector<16xf32> to vector<1x16xf32>
        tpu.vector_store %arg9[%parallel_loop3A_155, %parallel_loop3A_156], %parallel_loop3A_159 {strides = array<i32>} : memref<200x64xf32, #tpu.memory_space<vmem>>, vector<1x16xf32>,
        %parallel_loop3A_160 = arith.index_cast %parallel_loop3A_135 : i32 to index
        %parallel_loop3A_161 = arith.constant 32 : index
        %parallel_loop3A_162 = tpu.vector_load %arg7[%parallel_loop3A_160, %parallel_loop3A_161] {strides = array<i32>} : memref<200x128xf32, #tpu.memory_space<vmem>>, vector<1x16xf32>,
        %parallel_loop3A_163 = vector.shape_cast %parallel_loop3A_162 : vector<1x16xf32> to vector<16xf32>
        %parallel_loop3A_164 = arith.constant 8.000000e+00 : f32
        %parallel_loop3A_165 = vector.broadcast %parallel_loop3A_164 : f32 to vector<16xf32>
        %parallel_loop3A_166 = arith.mulf %parallel_loop3A_163, %parallel_loop3A_165 : vector<16xf32>
        %parallel_loop3A_167 = arith.index_cast %parallel_loop3A_135 : i32 to index
        %parallel_loop3A_168 = arith.constant 32 : index
        %parallel_loop3A_169 = tpu.vector_load %arg9[%parallel_loop3A_167, %parallel_loop3A_168] {strides = array<i32>} : memref<200x64xf32, #tpu.memory_space<vmem>>, vector<1x16xf32>,
        %parallel_loop3A_170 = vector.shape_cast %parallel_loop3A_169 : vector<1x16xf32> to vector<16xf32>
        %parallel_loop3A_171 = vector.shape_cast %parallel_loop3A_166 : vector<16xf32> to vector<1x16xf32>
        tpu.vector_store %arg9[%parallel_loop3A_167, %parallel_loop3A_168], %parallel_loop3A_171 {strides = array<i32>} : memref<200x64xf32, #tpu.memory_space<vmem>>, vector<1x16xf32>,
        %parallel_loop3A_172 = arith.index_cast %parallel_loop3A_135 : i32 to index
        %parallel_loop3A_173 = arith.constant 48 : index
        %parallel_loop3A_174 = tpu.vector_load %arg7[%parallel_loop3A_172, %parallel_loop3A_173] {strides = array<i32>} : memref<200x128xf32, #tpu.memory_space<vmem>>, vector<1x16xf32>,
        %parallel_loop3A_175 = vector.shape_cast %parallel_loop3A_174 : vector<1x16xf32> to vector<16xf32>
        %parallel_loop3A_176 = arith.constant 8.000000e+00 : f32
        %parallel_loop3A_177 = vector.broadcast %parallel_loop3A_176 : f32 to vector<16xf32>
        %parallel_loop3A_178 = arith.mulf %parallel_loop3A_175, %parallel_loop3A_177 : vector<16xf32>
        %parallel_loop3A_179 = arith.index_cast %parallel_loop3A_135 : i32 to index
        %parallel_loop3A_180 = arith.constant 48 : index
        %parallel_loop3A_181 = tpu.vector_load %arg9[%parallel_loop3A_179, %parallel_loop3A_180] {strides = array<i32>} : memref<200x64xf32, #tpu.memory_space<vmem>>, vector<1x16xf32>,
        %parallel_loop3A_182 = vector.shape_cast %parallel_loop3A_181 : vector<1x16xf32> to vector<16xf32>
        %parallel_loop3A_183 = vector.shape_cast %parallel_loop3A_178 : vector<16xf32> to vector<1x16xf32>
        tpu.vector_store %arg9[%parallel_loop3A_179, %parallel_loop3A_180], %parallel_loop3A_183 {strides = array<i32>} : memref<200x64xf32, #tpu.memory_space<vmem>>, vector<1x16xf32>,
      } {sc.loop_unroll_factor = 8 : i64, sc.parallel_access}
      %add3A_126 = arith.addi %mul3A_2, %add3A_92 : i32
      %dma_start3A_127 = arith.constant 0 : i32
      %dma_start3A_128 = arith.constant 0 : i32
      %dma_start3A_129 = tpu.memref_slice %arg4[%add3A_126, %dma_start3A_127, %dma_start3A_128] : memref<4096x200x64xf32, #tpu.memory_space<hbm>> -> memref<1x200x64xf32, #tpu.memory_space<hbm>>
      %dma_start3A_130 = tpu.memref_squeeze %dma_start3A_129 : memref<1x200x64xf32, #tpu.memory_space<hbm>> -> memref<200x64xf32, #tpu.memory_space<hbm>>
      %dma_start3A_131 = arith.constant 0 : i32
      %dma_start3A_132 = arith.constant 0 : i32
      %dma_start3A_133 = tpu.memref_slice %arg4[%add3A_126, %dma_start3A_131, %dma_start3A_132] : memref<4096x200x64xf32, #tpu.memory_space<hbm>> -> memref<1x200x64xf32, #tpu.memory_space<hbm>>
      %dma_start3A_134 = tpu.memref_squeeze %dma_start3A_133 : memref<1x200x64xf32, #tpu.memory_space<hbm>> -> memref<200x64xf32, #tpu.memory_space<hbm>>
      tpu.enqueue_dma source(%arg9 : memref<200x64xf32, #tpu.memory_space<vmem>>) target(%dma_start3A_134 : memref<200x64xf32, #tpu.memory_space<hbm>>) target_semaphore(%arg13 : memref<!tpu.dma_semaphore, #tpu.memory_space<semaphore_mem>>)
    }
    %scan3A_24 = arith.constant 64 : i32
    %add3A_25 = arith.constant 128 : i32
    %add3A_26 = arith.addi %mul3A_2, %add3A_25 : i32
    %sub3A = arith.constant 2 : i32
    %sub3A_27 = arith.subi %add3A_26, %sub3A : i32
    %dma_wait3A = arith.constant 0 : i32
    %dma_wait3A_28 = arith.constant 0 : i32
    %dma_wait3A_29 = tpu.memref_slice %arg4[%sub3A_27, %dma_wait3A, %dma_wait3A_28] : memref<4096x200x64xf32, #tpu.memory_space<hbm>> -> memref<1x200x64xf32, #tpu.memory_space<hbm>>
    %dma_wait3A_30 = tpu.memref_squeeze %dma_wait3A_29 : memref<1x200x64xf32, #tpu.memory_space<hbm>> -> memref<200x64xf32, #tpu.memory_space<hbm>>
    %dma_wait3A_31 = arith.constant 0 : i32
    %dma_wait3A_32 = arith.constant 0 : i32
    %dma_wait3A_33 = tpu.memref_slice %arg4[%sub3A_27, %dma_wait3A_31, %dma_wait3A_32] : memref<4096x200x64xf32, #tpu.memory_space<hbm>> -> memref<1x200x64xf32, #tpu.memory_space<hbm>>
    %dma_wait3A_34 = tpu.memref_squeeze %dma_wait3A_33 : memref<1x200x64xf32, #tpu.memory_space<hbm>> -> memref<200x64xf32, #tpu.memory_space<hbm>>
    tpu.wait_dma2 semaphore(%arg12 : memref<!tpu.dma_semaphore, #tpu.memory_space<semaphore_mem>>) src(%arg8 : memref<200x64xf32, #tpu.memory_space<vmem>>) dst(%dma_wait3A_34 : memref<200x64xf32, #tpu.memory_space<hbm>>)
    %add3A_35 = arith.constant 128 : i32
    %add3A_36 = arith.addi %mul3A_2, %add3A_35 : i32
    %sub3A_37 = arith.constant 1 : i32
    %sub3A_38 = arith.subi %add3A_36, %sub3A_37 : i32
    %dma_wait3A_39 = arith.constant 0 : i32
    %dma_wait3A_40 = arith.constant 0 : i32
    %dma_wait3A_41 = tpu.memref_slice %arg4[%sub3A_38, %dma_wait3A_39, %dma_wait3A_40] : memref<4096x200x64xf32, #tpu.memory_space<hbm>> -> memref<1x200x64xf32, #tpu.memory_space<hbm>>
    %dma_wait3A_42 = tpu.memref_squeeze %dma_wait3A_41 : memref<1x200x64xf32, #tpu.memory_space<hbm>> -> memref<200x64xf32, #tpu.memory_space<hbm>>
    %dma_wait3A_43 = arith.constant 0 : i32
    %dma_wait3A_44 = arith.constant 0 : i32
    %dma_wait3A_45 = tpu.memref_slice %arg4[%sub3A_38, %dma_wait3A_43, %dma_wait3A_44] : memref<4096x200x64xf32, #tpu.memory_space<hbm>> -> memref<1x200x64xf32, #tpu.memory_space<hbm>>
    %dma_wait3A_46 = tpu.memref_squeeze %dma_wait3A_45 : memref<1x200x64xf32, #tpu.memory_space<hbm>> -> memref<200x64xf32, #tpu.memory_space<hbm>>
    tpu.wait_dma2 semaphore(%arg13 : memref<!tpu.dma_semaphore, #tpu.memory_space<semaphore_mem>>) src(%arg9 : memref<200x64xf32, #tpu.memory_space<vmem>>) dst(%dma_wait3A_46 : memref<200x64xf32, #tpu.memory_space<hbm>>)
    return
  }
}

</mosaic_0001>

<sc_bundles>
// kernel: kernel.3.cloned.1.call-start
scs
__scs_entry_jumppad:
0x0: {  	(pc) =	sbr.rel $0x88, $3  }
0x1: {  	(tag) =	ssettag $0x0;
	lr =	simm.s32 $0x1  }
0x2: {  	[smem:$0x3F9F] =	sst lr;
	_ =	strace $0xD0000000  }
0x3: {  	_ = 	snop  }
0x4: {  	_ = 	snop  }
0x5: {  	_ = 	snop  }
0x6: {  	_ = 	snop  }
0x7: {  	_ = 	snop  }
__scs_overlays_trampoline_lowered:
0x8: {  	[smem:$0x3FAE] =	sst s0  }
0x9: {  	[smem:$0x3FAF] =	sst s1  }
0xa: {  	[smem:$0x3FB0] =	sst s2  }
0xb: {  	[smem:$0x3FB1] =	sst s3  }
0xc: {  	[smem:$0x3FB2] =	sst s4  }
0xd: {  	[smem:$0x3FB3] =	sst s5  }
0xe: {  	[smem:$0x3FB4] =	sst s6  }
0xf: {  	[smem:$0x3FB5] =	sst s7  }
0x10: {  	[smem:$0x3FB6] =	sst s8  }
0x11: {  	[smem:$0x3FB7] =	sst s9;
	s0 =	simm.s32 @!p0 $0x0  }
0x12: {  	s1 =	sld [smem:$0x3F9D];
	s0 =	simm.s32 @p0 $0x1  }
0x13: {  	[smem:$0x3FB8] =	sst s0;
	s0 =	simm.s32 @!p1 $0x0  }
0x14: {  	s2 =	sld [smem:$0x3F9C];
	s0 =	simm.s32 @p1 $0x1  }
0x15: {  	[smem:$0x3FB9] =	sst s0;
	s0 =	simm.s32 @!p2 $0x0  }
0x16: {  	s3 =	sld [smem:$0x3FDB];
	s0 =	simm.s32 @p2 $0x1  }
0x17: {  	s4 =	simm.s32 $0x1BF5;
	[smem:$0x3FBB] =	sst s0  }
0x18: {  	s0 =	sld [smem:$0x3F9E];
	_ =	swait.ge [sflag:s4], $0x0  }
0x19: {  	s7 =	sld [smem:$0x3F9F]  }
0x1a: {  	s8 =	sadd.s32 $0xFFFFE003, lr  }
0x1b: {  	s9 =	sadd.s32 $0xFFFFFEF7, lr;
	s5 =	simm.s32 $0xFFFFFFFF;
	p2 =	slt.u32 s8, $0xFFFFF086  }
0x1c: {  	p1 =	slt.u32 s9, $0xF7A;
	s5 =	simm.s32 @!p2 $0x0  }
0x1d: {  	s5 =	simm.s32 @p1 $0x1;
	p0 =	seq.s32 s7, s2  }
0x1e: {  	s7 =	smul.u32 @!p0 $0xF7A, s2;
	p2 =	seq.s32 @!p0 s5, $0x0  }
0x1f: {  	s9 =	smul.u32 $0xF7A, s1;
	s8 =	simm.s32 @!p0 $0x1BF5;
	p2 =	por !p2, p0  }
0x20: {  	[sflag:s8] =	ssyncset.s32 @!p0 $0xFFFFF086;
	s6 =	sadd.s32 @!p0 s3, s7;
	s7 =	simm.s32 @!p0 $0x108  }
0x21: {  	s3 =	sadd.s32 s3, s9;
	s6 =	sadd.s32 @!p0 $0x88, s6;
	s7 =	simm.s32 @p2 $0x1082  }
0x22: {  	[simem:s7], [sflag:s8] =	dma.local @!p0 [hbm:s6], $0xF7A  }
0x23: {  	s9 =	sor.u32 $0xD0000000, s2;
	s6 =	simm.s32 $0x108;
	_ =	swait.ge @!p0 [sflag:s8], $0x0  }
0x24: {  	s3 =	sadd.s32 $0x88, s3;
	s6 =	simm.s32 @!p1 $0x1082;
	[sflag:s4] =	ssyncset.s32 $0xFFFFF086  }
0x25: {  	[simem:s6], [sflag:s4] =	dma.local [hbm:s3], $0xF7A  }
0x26: {  	[smem:$0x3F9F] =	sst s1;
	(tag) =	ssettag s2;
	_ =	strace s9  }
0x27: {  	s1 =	sld [smem:$0x3FAF]  }
0x28: {  	s2 =	sld [smem:$0x3FB0]  }
0x29: {  	s4 =	sld [smem:$0x3FB2]  }
0x2a: {  	p0 =	seq.s32 s5, $0x0;
	s5 =	sld [smem:$0x3FB3]  }
0x2b: {  	s6 =	sld [smem:$0x3FB4]  }
0x2c: {  	s7 =	sld [smem:$0x3FB5]  }
0x2d: {  	s3 =	simm.s32 $0x108;
	s8 =	sld [smem:$0x3FB6]  }
0x2e: {  	s3 =	simm.s32 @!p0 $0x1082;
	s9 =	sld [smem:$0x3FB7]  }
0x2f: {  	lr =	sadd.s32 s0, s3;
	s0 =	sld [smem:$0x3FAE]  }
0x30: {  	s3 =	sld [smem:$0x3FB1]  }
0x31: {  	[smem:$0x3FBA] =	sst s10  }
0x32: {  	s10 =	sld [smem:$0x3FB8];
	_ =	sdelay $0x3  }
0x33: {  	p0 =	seq.s32 s10, $0x1;
	s10 =	sld [smem:$0x3FBA];
	_ =	sdelay $0x3  }
0x34: {  	[smem:$0x3FBA] =	sst s10  }
0x35: {  	s10 =	sld [smem:$0x3FB9];
	_ =	sdelay $0x3  }
0x36: {  	p1 =	seq.s32 s10, $0x1;
	s10 =	sld [smem:$0x3FBA];
	_ =	sdelay $0x3  }
0x37: {  	[smem:$0x3FBA] =	sst s10  }
0x38: {  	s10 =	sld [smem:$0x3FBB]  }
0x39: {  	_ = 	snop;
	(pc) =	sbr.ind lr, $3  }
0x3a: {  	_ = 	snop  }
0x3b: {  	_ = 	snop  }
0x3c: {  	p2 =	seq.s32 s10, $0x1;
	s10 =	sld [smem:$0x3FBA]  }
0x3d: {  	_ =	shalt  }
0x3e: {  	_ =	shalt  }
0x3f: {  	_ =	shalt  }
0x40: {  	_ =	shalt  }
0x41: {  	_ =	shalt  }
0x42: {  	_ =	shalt  }
0x43: {  	_ =	shalt  }
0x44: {  	_ =	shalt  }
0x45: {  	_ =	shalt  }
0x46: {  	_ =	shalt  }
0x47: {  	_ =	shalt  }
0x48: {  	_ =	shalt  }
0x49: {  	_ =	shalt  }
0x4a: {  	_ =	shalt  }
0x4b: {  	_ =	shalt  }
0x4c: {  	_ =	shalt  }
0x4d: {  	_ =	shalt  }
0x4e: {  	_ =	shalt  }
0x4f: {  	_ =	shalt  }
0x50: {  	_ =	shalt  }
0x51: {  	_ =	shalt  }
0x52: {  	_ =	shalt  }
0x53: {  	_ =	shalt  }
0x54: {  	_ =	shalt  }
0x55: {  	_ =	shalt  }
0x56: {  	_ =	shalt  }
0x57: {  	_ =	shalt  }
0x58: {  	_ =	shalt  }
0x59: {  	_ =	shalt  }
0x5a: {  	_ =	shalt  }
0x5b: {  	_ =	shalt  }
0x5c: {  	_ =	shalt  }
0x5d: {  	_ =	shalt  }
0x5e: {  	_ =	shalt  }
0x5f: {  	_ =	shalt  }
0x60: {  	_ =	shalt  }
0x61: {  	_ =	shalt  }
0x62: {  	_ =	shalt  }
0x63: {  	_ =	shalt  }
0x64: {  	_ =	shalt  }
0x65: {  	_ =	shalt  }
0x66: {  	_ =	shalt  }
0x67: {  	_ =	shalt  }
0x68: {  	_ =	shalt  }
0x69: {  	_ =	shalt  }
0x6a: {  	_ =	shalt  }
0x6b: {  	_ =	shalt  }
0x6c: {  	_ =	shalt  }
0x6d: {  	_ =	shalt  }
0x6e: {  	_ =	shalt  }
0x6f: {  	_ =	shalt  }
0x70: {  	_ =	shalt  }
0x71: {  	_ =	shalt  }
0x72: {  	_ =	shalt  }
0x73: {  	_ =	shalt  }
0x74: {  	_ =	shalt  }
0x75: {  	_ =	shalt  }
0x76: {  	_ =	shalt  }
0x77: {  	_ =	shalt  }
0x78: {  	_ =	shalt  }
0x79: {  	_ =	shalt  }
0x7a: {  	_ =	shalt  }
0x7b: {  	_ =	shalt  }
0x7c: {  	_ =	shalt  }
0x7d: {  	_ =	shalt  }
0x7e: {  	_ =	shalt  }
0x7f: {  	_ =	shalt  }
0x80: {  	_ =	shalt  }
0x81: {  	_ =	shalt  }
0x82: {  	_ =	shalt  }
0x83: {  	_ =	shalt  }
0x84: {  	_ =	shalt  }
0x85: {  	_ =	shalt  }
0x86: {  	_ =	shalt  }
0x87: {  	_ =	shalt  }
.Lfunc_end0:
.L_simem_size_0:
called_computation_lowered:
.L_overlay_start_0:
0x88: {  	s2 =	sld [smem:$0x3FD9]  }
0x89: {  	s3 =	sld [smem:$0x3FFE];
	_ =	sdelay $0x1  }
0x8a: {  	s1 =	srdreg.scid  }
0x8b: {  	s0 =	sand.u32 $0x1, s1  }
0x8c: {  	s17 =	sshll.u32 s0, $0xA;
	s2 =	sadd.s32 s3, s2  }
0x8d: {  	s2 =	sadd.s32 s2, s17  }
0x8e: {  	[smem:$0x3FC6] =	sst s2  }
0x8f: {  	_ = 	snop  }
0x90: {  	s2 =	sld [smem:$0x3FD0];
	(tm) =	ssettm $0x1  }
0x91: {  	s18 =	sld [smem:$0x3FFB];
	_ =	sdelay $0x3  }
0x92: {  	_ =	strace s18  }
0x93: {  	s3 =	sld [smem:$0x3FFC];
	_ =	sdelay $0x3  }
0x94: {  	_ =	strace s3  }
0x95: {  	s3 =	sld [smem:$0x3FFD];
	_ =	sdelay $0x3  }
0x96: {  	_ =	strace s3  }
0x97: {  	_ =	strace $0x8FFFFFFF  }
0x98: {  	s19 =	sld [smem:$0x3FDB];
	_ =	sdelay $0x1  }
0x99: {  	s4 =	simm.s32 $_scs_section_size  }
0x9a: {  	s5 =	simm.s32 $_size__tile_overlayer_lowered;
	s6 =	simm.s32 $_tile_overlayer_lowered  }
0x9b: {  	s22 =	simm.s32 $0x1BFF;
	s21 =	sshll.u32 s6, $0x1;
	s3 =	sadd.s32 s4, s19  }
0x9c: {  	s7 =	simm.s32 $0x0;
	s20 =	sshll.u32 s5, $0x1;
	s5 =	sadd.s32 s21, s3  }
0x9d: {  	[timem:s7], [sflag:s22] =	dma.local [hbm:s5], s20  }
0x9e: {  	_ =	swait.ge [sflag:s22], s20  }
0x9f: {  	s4 =	ssub.s32 $0x0, s20;
	[sflag:s22] =	ssyncset.done $0x0  }
0xa0: {  	[sflag:s22] =	ssyncadd.s32 s4;
	_ =	sdelay $0x1  }
0xa1: {  	s23 =	simm.s32 $0x1B8B  }
0xa2: {  	_ =	swait.ge [sflag:s23], $0x1  }
0xa3: {  	[sflag:s23] =	ssyncset.done $0x0  }
0xa4: {  	s25 =	simm.s32 $0x1B8E;
	s24 =	sld [smem:$0x3FFE];
	[sflag:s23] =	ssyncadd.s32 $0xFFFFFFFF  }
0xa5: {  	s26 =	simm.s32 $execute0_lowered;
	[smem:$0x3FD2] =	sst s25  }
0xa6: {  	s5 =	sshll.u32 s26, $0x1;
	_ =	strace $0x80000046;
	[dreg:$0x1] =	wrdreg $0xFFFFFFFF  }
0xa7: {  	s28 =	simm.s32 $_size_execute0_lowered;
	s3 =	sadd.s32 s3, s5;
	[dreg:$0x0] =	wrdreg $0x0  }
0xa8: {  	s5 =	sshll.u32 s28, $0x1;
	[dreg:$0x2] =	wrdreg s3  }
0xa9: {  	[dreg:$0x3] =	wrdreg s5  }
0xaa: {  	[dreg:$0x4] =	wrdreg $0xC0  }
0xab: {  	_ =	task [dreg:s7], $0x5FFFF  }
0xac: {  	[dreg:$0x1] =	wrdreg $0xFFFFFFFF  }
0xad: {  	[dreg:$0x0] =	wrdreg $0x60  }
0xae: {  	[dreg:$0x2] =	wrdreg s2  }
0xaf: {  	[dreg:$0x3] =	wrdreg s24  }
0xb0: {  	[dreg:$0x4] =	wrdreg $0x9  }
0xb1: {  	_ =	task.clear_ibuf [dreg:s7], $0x5FFFF;
	_ =	strace $0x90000046  }
0xb2: {  	s29 =	simm.s32 $0x9;
	_ =	strace $0x80000048  }
0xb3: {  	_ =	swait.ge [sflag:s29], $0x1  }
0xb4: {  	[sflag:s29] =	ssyncadd.s32 $0xFFFFFFFF  }
0xb5: {  	_ =	strace $0x90000048  }
0xb6: {  	_ =	sfence  }
0xb7: {  	s30 =	sld [smem:$0x0];
	_ =	sdelay $0x2  }
0xb8: {  	s31 =	sshll.u32 s1, $0xD;
	s1 =	sshrl.u32 s1, $0x2  }
0xb9: {  	s3 =	sand.u32 $0x4000, s31;
	s1 =	sadd.s32 s1, s30  }
0xba: {  	s0 =	sor.u32 s3, s0;
	s1 =	sshll.u32 s1, $0x11  }
0xbb: {  	s0 =	sor.u32 s1, s0  }
0xbc: {  	s0 =	sadd.s32 $0x8F2B, s0  }
0xbd: {  	[sflag:s0] =	ssyncadd.remote.s32 $0x1  }
0xbe: {  	_ =	sfence.sel $0xFFFF  }
0xbf: {  	[dreg:$0x0] =	wrdreg $0xFFFFFFFF;
	(pc) =	sbr.abs _section_cstart, $3  }
0xc0: {  	[dreg:$0x1] =	wrdreg $0xFFFFFFFF  }
0xc1: {  	_ =	task.clear_ibuf [dreg:s7], $0x2FFFF;
	_ =	strace $0x9FFFFFFF  }
0xc2: {  	(tm) =	ssettm $0x7FFFFFFF  }
0xc3: {  	_ =	shalt  }
tec
execute0_lowered:
.L_overlay_start_1:
0x0: {  	(tag) =	ssettag $0x1  }
0x1: {  	s6 =	rddreg [dreg:$0x0]  }
0x2: {  	s4 =	rddreg [dreg:$0x1]  }
0x3: {  	s0 =	rddreg [dreg:$0x2];
	s3 =	srdreg.scid  }
0x4: {  	s1 =	stileid.u32;
	s2 =	simm.s32 $0x0;
	s10 =	simm.s32 $0x6400  }
0x5: {  	s11 =	simm.s32 $0x60;
	s12 =	simm.s32 $0x9800;
	s13 =	simm.s32 $0xC800  }
0x6: {  	s14 =	simm.s32 $0xFC00;
	s15 =	simm.s32 $0x1;
	s16 =	simm.s32 $0x12C00  }
0x7: {  	s17 =	simm.s32 $0x2;
	s18 =	simm.s32 $0x19000;
	s19 =	simm.s32 $0x3  }
0x8: {  	s20 =	simm.s32 $0x4;
	s3 =	sand.u32 $0x1, s3;
	s5 =	sshll.u32 s1, $0x1  }
0x9: {  	s21 =	simm.s32 $0x0;
	[smem:$0x7FF] =	sst s2;
	s5 =	sor.u32 s3, s5  }
0xa: {  	_ =	strace $0x80000047;
	s7 =	ssub.s32 $0x2, s3;
	s3 =	sadd.s32 $0xF42A00, s4  }
0xb: {  	s4 =	sadd.s32 $0x600, s4;
	s8 =	smul.u32 $0xC80, s5;
	s9 =	sshrl.u32 s7, $0x1  }
0xc: {  	s5 =	sshll.u32 s5, $0x7;
	s7 =	ssub.s32 s7, s9;
	s9 =	simm.s32 $0x68  }
0xd: {  	s6 =	sadd.s32 s6, s8;
	s7 =	smax.u32 s7, $0x1;
	s8 =	simm.s32 $0x5  }
.LBB2_1:
0xe: {  	[tilespmem:s2], [sflag:$0x5] =	stream.linear.gather [hbm4b:s6+s2], $0x6400, $0x38;
	[tilespmem:$0x1F400] =	vst v63  }
0xf: {  	_ =	swait.ge [sflag:s8], $0x6400  }
0x10: {  	[sflag:s8] =	ssyncset.done $0x0  }
0x11: {  	[sflag:s8] =	ssyncadd.s32 $0xFFFF9C00  }
0x12: {  	[tilespmem:s10], [sflag:$0x1] =	stream.indirect.gather [hbm4b:s3+s9], $0x80, s2, s9, $0xb8;
	[tilespmem:$0x1F400] =	vst v63  }
0x13: {  	s22 =	simm.s32 $0x0  }
0x14: {  	[tilespmem:s12], [sflag:$0x1] =	stream.indirect.gather [hbm4b:s3+s11], $0x80, s9, s11, $0xb8;
	[tilespmem:$0x1F400] =	vst v63  }
.LBB2_2:
0x15: {  	s23 =	sshllo.u32 s22, $0x1  }
0x16: {  	s24 =	smul.u32 $0x320, s23;
	_ =	sdelay $0x1  }
0x17: {  	s24 =	sshra.s32 s24, $0x2  }
0x18: {  	[tilespmem:s13], [sflag:$0x2] =	stream.indirect.gather [hbm4b:s3+s9], $0x80, s24, s9, $0xb8;
	[tilespmem:$0x1F400] =	vst v63  }
0x19: {  	s24 =	sadd.s32 $0x68, s24  }
0x1a: {  	[tilespmem:s14], [sflag:$0x2] =	stream.indirect.gather [hbm4b:s3+s11], $0x80, s24, s11, $0xb8;
	[tilespmem:$0x1F400] =	vst v63  }
0x1b: {  	_ =	swait.ge [sflag:s15], $0x3400  }
0x1c: {  	[sflag:s15] =	ssyncset.done $0x0  }
0x1d: {  	[sflag:s15] =	ssyncadd.s32 $0xFFFFCC00  }
0x1e: {  	_ =	swait.ge [sflag:s15], $0x3000  }
0x1f: {  	p0 =	seq.s32 s22, $0x0;
	[sflag:s15] =	ssyncset.done $0x0  }
0x20: {  	s24 =	simm.s32 @!p0 $0x3;
	[sflag:s15] =	ssyncadd.s32 $0xFFFFD000  }
0x21: {  	_ =	swait.ge @!p0 [sflag:s24], $0x6400  }
0x22: {  	[sflag:s24] =	ssyncset.done @!p0 $0x0  }
0x23: {  	s28 =	simm.s32 $0x6600;
	[sflag:s24] =	ssyncadd.s32 @!p0 $0xFFFF9C00  }
0x24: {  	v0 =	vld [tilespmem:s28+$0x180]  }
0x25: {  	v1 =	vld [tilespmem:s28+$0xFFFFFE80]  }
0x26: {  	v2 =	vld [tilespmem:s28+$0xFFFFFF00]  }
0x27: {  	v3 =	vld [tilespmem:s28+$0xFFFFFF80]  }
0x28: {  	v4 =	vld [tilespmem:s28+$0x0]  }
0x29: {  	v5 =	vld [tilespmem:s28+$0x80];
	v0 =	vmul.f32 $8.000000000e+00, v0  }
0x2a: {  	s24 =	simm.s32 $0x12E00;
	v6 =	vld [tilespmem:s28+$0x100];
	v1 =	vmul.f32 $8.000000000e+00, v1  }
0x2b: {  	v7 =	vld [tilespmem:s28+$0xFFFFFE00];
	v2 =	vmul.f32 $8.000000000e+00, v2;
	[tilespmem:s24+$0x180] =	vst v0  }
0x2c: {  	[tilespmem:s24+$0xFFFFFE80] =	vst v1;
	v0 =	vmul.f32 $8.000000000e+00, v3;
	v1 =	vld [tilespmem:s28+$0x190]  }
0x2d: {  	[tilespmem:s24+$0xFFFFFF00] =	vst v2;
	v2 =	vmul.f32 $8.000000000e+00, v4;
	v3 =	vld [tilespmem:s28+$0xFFFFFE90]  }
0x2e: {  	v4 =	vld [tilespmem:s28+$0xFFFFFF10];
	[tilespmem:s24+$0xFFFFFF80] =	vst v0;
	v0 =	vmul.f32 $8.000000000e+00, v5  }
0x2f: {  	[tilespmem:s24+$0x0] =	vst v2;
	v2 =	vmul.f32 $8.000000000e+00, v6;
	v5 =	vld [tilespmem:s28+$0xFFFFFF90]  }
0x30: {  	v6 =	vmul.f32 $8.000000000e+00, v7;
	v7 =	vld [tilespmem:s28+$0x10];
	[tilespmem:s24+$0x80] =	vst v0  }
0x31: {  	[tilespmem:s24+$0x100] =	vst v2;
	v0 =	vld [tilespmem:s28+$0x90];
	v1 =	vmul.f32 $8.000000000e+00, v1  }
0x32: {  	[tilespmem:s24+$0xFFFFFE00] =	vst v6;
	v2 =	vmul.f32 $8.000000000e+00, v3;
	v3 =	vld [tilespmem:s28+$0x110]  }
0x33: {  	v6 =	vld [tilespmem:s28+$0xFFFFFE10];
	v4 =	vmul.f32 $8.000000000e+00, v4;
	[tilespmem:s24+$0x190] =	vst v1  }
0x34: {  	[tilespmem:s24+$0xFFFFFE90] =	vst v2;
	v1 =	vmul.f32 $8.000000000e+00, v5;
	v2 =	vld [tilespmem:s28+$0x1A0]  }
0x35: {  	[tilespmem:s24+$0xFFFFFF10] =	vst v4;
	v4 =	vmul.f32 $8.000000000e+00, v7;
	v5 =	vld [tilespmem:s28+$0xFFFFFEA0]  }
0x36: {  	v7 =	vld [tilespmem:s28+$0xFFFFFF20];
	[tilespmem:s24+$0xFFFFFF90] =	vst v1;
	v0 =	vmul.f32 $8.000000000e+00, v0  }
0x37: {  	[tilespmem:s24+$0x10] =	vst v4;
	v1 =	vld [tilespmem:s28+$0xFFFFFFA0];
	v3 =	vmul.f32 $8.000000000e+00, v3  }
0x38: {  	v4 =	vmul.f32 $8.000000000e+00, v6;
	v6 =	vld [tilespmem:s28+$0x20];
	[tilespmem:s24+$0x90] =	vst v0  }
0x39: {  	v0 =	vld [tilespmem:s28+$0xA0];
	[tilespmem:s24+$0x110] =	vst v3;
	v2 =	vmul.f32 $8.000000000e+00, v2  }
0x3a: {  	[tilespmem:s24+$0xFFFFFE10] =	vst v4;
	v3 =	vmul.f32 $8.000000000e+00, v5;
	v4 =	vld [tilespmem:s28+$0x120]  }
0x3b: {  	v5 =	vld [tilespmem:s28+$0xFFFFFE20];
	v7 =	vmul.f32 $8.000000000e+00, v7;
	[tilespmem:s24+$0x1A0] =	vst v2  }
0x3c: {  	[tilespmem:s24+$0xFFFFFEA0] =	vst v3;
	v1 =	vmul.f32 $8.000000000e+00, v1;
	v3 =	vld [tilespmem:s28+$0x1B0]  }
0x3d: {  	[tilespmem:s24+$0xFFFFFF20] =	vst v7;
	v2 =	vmul.f32 $8.000000000e+00, v6;
	v8 =	vld [tilespmem:s28+$0xFFFFFEB0]  }
0x3e: {  	v7 =	vld [tilespmem:s28+$0xFFFFFF30];
	[tilespmem:s24+$0xFFFFFFA0] =	vst v1;
	v1 =	vmul.f32 $8.000000000e+00, v0  }
0x3f: {  	[tilespmem:s24+$0x20] =	vst v2;
	v0 =	vld [tilespmem:s28+$0xFFFFFFB0];
	v4 =	vmul.f32 $8.000000000e+00, v4  }
0x40: {  	v5 =	vmul.f32 $8.000000000e+00, v5;
	v2 =	vld [tilespmem:s28+$0x30];
	[tilespmem:s24+$0xA0] =	vst v1  }
0x41: {  	v1 =	vld [tilespmem:s28+$0xB0];
	[tilespmem:s24+$0x120] =	vst v4;
	v9 =	vmul.f32 $8.000000000e+00, v3  }
0x42: {  	[tilespmem:s24+$0xFFFFFE20] =	vst v5;
	v3 =	vld [tilespmem:s28+$0x130];
	v6 =	vmul.f32 $8.000000000e+00, v8  }
0x43: {  	s25 =	sshll.u32 s22, $0x1;
	s26 =	simm.s32 $0x0;
	v4 =	vld [tilespmem:s28+$0xFFFFFE30];
	v5 =	vmul.f32 $8.000000000e+00, v7;
	s28 =	simm.s32 $0x6A00;
	[tilespmem:s24+$0x1B0] =	vst v9  }
.LBB2_3:
0x44: {  	v7 =	vld [tilespmem:s28+$0x180];
	s26 =	sadd.s32 $0x8, s26;
	[tilespmem:s24+$0xFFFFFEB0] =	vst v6;
	v0 =	vmul.f32 $8.000000000e+00, v0  }
0x45: {  	v6 =	vld [tilespmem:s28+$0xFFFFFE80];
	p1 =	slt.u32 s26, $0xC0;
	[tilespmem:s24+$0xFFFFFF30] =	vst v5;
	v2 =	vmul.f32 $8.000000000e+00, v2  }
0x46: {  	v5 =	vld [tilespmem:s28+$0xFFFFFF00];
	[tilespmem:s24+$0xFFFFFFB0] =	vst v0;
	v0 =	vmul.f32 $8.000000000e+00, v1  }
0x47: {  	v1 =	vld [tilespmem:s28+$0xFFFFFF80];
	[tilespmem:s24+$0x30] =	vst v2;
	v2 =	vmul.f32 $8.000000000e+00, v3  }
0x48: {  	v3 =	vld [tilespmem:s28+$0x0];
	v4 =	vmul.f32 $8.000000000e+00, v4;
	[tilespmem:s24+$0xB0] =	vst v0  }
0x49: {  	v0 =	vld [tilespmem:s28+$0x80];
	v7 =	vmul.f32 $8.000000000e+00, v7;
	[tilespmem:s24+$0x130] =	vst v2  }
0x4a: {  	v2 =	vmul.f32 $8.000000000e+00, v6;
	v6 =	vld [tilespmem:s28+$0x100];
	[tilespmem:s24+$0xFFFFFE30] =	vst v4;
	s24 =	sadd.s32 $0x400, s24  }
0x4b: {  	v4 =	vld [tilespmem:s28+$0xFFFFFE00];
	v5 =	vmul.f32 $8.000000000e+00, v5;
	[tilespmem:s24+$0x180] =	vst v7  }
0x4c: {  	[tilespmem:s24+$0xFFFFFE80] =	vst v2;
	v1 =	vmul.f32 $8.000000000e+00, v1;
	v2 =	vld [tilespmem:s28+$0x190]  }
0x4d: {  	v7 =	vld [tilespmem:s28+$0xFFFFFE90];
	[tilespmem:s24+$0xFFFFFF00] =	vst v5;
	v3 =	vmul.f32 $8.000000000e+00, v3  }
0x4e: {  	v5 =	vld [tilespmem:s28+$0xFFFFFF10];
	[tilespmem:s24+$0xFFFFFF80] =	vst v1;
	v0 =	vmul.f32 $8.000000000e+00, v0  }
0x4f: {  	v1 =	vld [tilespmem:s28+$0xFFFFFF90];
	[tilespmem:s24+$0x0] =	vst v3;
	v3 =	vmul.f32 $8.000000000e+00, v6  }
0x50: {  	v4 =	vmul.f32 $8.000000000e+00, v4;
	v6 =	vld [tilespmem:s28+$0x10];
	[tilespmem:s24+$0x80] =	vst v0  }
0x51: {  	v0 =	vld [tilespmem:s28+$0x90];
	[tilespmem:s24+$0x100] =	vst v3;
	v2 =	vmul.f32 $8.000000000e+00, v2  }
0x52: {  	[tilespmem:s24+$0xFFFFFE00] =	vst v4;
	v3 =	vmul.f32 $8.000000000e+00, v7;
	v4 =	vld [tilespmem:s28+$0x110]  }
0x53: {  	v7 =	vld [tilespmem:s28+$0xFFFFFE10];
	v5 =	vmul.f32 $8.000000000e+00, v5;
	[tilespmem:s24+$0x190] =	vst v2  }
0x54: {  	[tilespmem:s24+$0xFFFFFE90] =	vst v3;
	v1 =	vmul.f32 $8.000000000e+00, v1;
	v2 =	vld [tilespmem:s28+$0x1A0]  }
0x55: {  	v3 =	vld [tilespmem:s28+$0xFFFFFEA0];
	[tilespmem:s24+$0xFFFFFF10] =	vst v5;
	v5 =	vmul.f32 $8.000000000e+00, v6  }
0x56: {  	v6 =	vld [tilespmem:s28+$0xFFFFFF20];
	[tilespmem:s24+$0xFFFFFF90] =	vst v1;
	v0 =	vmul.f32 $8.000000000e+00, v0  }
0x57: {  	v1 =	vld [tilespmem:s28+$0xFFFFFFA0];
	[tilespmem:s24+$0x10] =	vst v5;
	v4 =	vmul.f32 $8.000000000e+00, v4  }
0x58: {  	v5 =	vmul.f32 $8.000000000e+00, v7;
	v7 =	vld [tilespmem:s28+$0x20];
	[tilespmem:s24+$0x90] =	vst v0  }
0x59: {  	v0 =	vld [tilespmem:s28+$0xA0];
	[tilespmem:s24+$0x110] =	vst v4;
	v2 =	vmul.f32 $8.000000000e+00, v2  }
0x5a: {  	[tilespmem:s24+$0xFFFFFE10] =	vst v5;
	v3 =	vmul.f32 $8.000000000e+00, v3;
	v4 =	vld [tilespmem:s28+$0x120]  }
0x5b: {  	v5 =	vld [tilespmem:s28+$0xFFFFFE20];
	v6 =	vmul.f32 $8.000000000e+00, v6;
	[tilespmem:s24+$0x1A0] =	vst v2  }
0x5c: {  	[tilespmem:s24+$0xFFFFFEA0] =	vst v3;
	v1 =	vmul.f32 $8.000000000e+00, v1;
	v3 =	vld [tilespmem:s28+$0x1B0]  }
0x5d: {  	v8 =	vld [tilespmem:s28+$0xFFFFFEB0];
	[tilespmem:s24+$0xFFFFFF20] =	vst v6;
	v2 =	vmul.f32 $8.000000000e+00, v7  }
0x5e: {  	v7 =	vld [tilespmem:s28+$0xFFFFFF30];
	[tilespmem:s24+$0xFFFFFFA0] =	vst v1;
	v1 =	vmul.f32 $8.000000000e+00, v0  }
.Ltmp0:
0x5f: {  	v0 =	vld [tilespmem:s28+$0xFFFFFFB0];
	[tilespmem:s24+$0x20] =	vst v2;
	v4 =	vmul.f32 $8.000000000e+00, v4;
	(pc) =	sbr.rel @p1 .LBB2_3-.Ltmp0, $4  }
0x60: {  	v5 =	vmul.f32 $8.000000000e+00, v5;
	v2 =	vld [tilespmem:s28+$0x30];
	[tilespmem:s24+$0xA0] =	vst v1  }
0x61: {  	v1 =	vld [tilespmem:s28+$0xB0];
	[tilespmem:s24+$0x120] =	vst v4;
	v9 =	vmul.f32 $8.000000000e+00, v3  }
0x62: {  	[tilespmem:s24+$0xFFFFFE20] =	vst v5;
	v6 =	vmul.f32 $8.000000000e+00, v8;
	v3 =	vld [tilespmem:s28+$0x130]  }
0x63: {  	v4 =	vld [tilespmem:s28+$0xFFFFFE30];
	v5 =	vmul.f32 $8.000000000e+00, v7;
	[tilespmem:s24+$0x1B0] =	vst v9;
	s28 =	sadd.s32 $0x400, s28  }
0x64: {  	[tilespmem:s24+$0xFFFFFEB0] =	vst v6;
	v0 =	vmul.f32 $8.000000000e+00, v0  }
0x65: {  	s25 =	sadd.s32 s5, s25;
	[tilespmem:s24+$0xFFFFFF30] =	vst v5;
	v2 =	vmul.f32 $8.000000000e+00, v2  }
0x66: {  	s25 =	smul.u32 $0xC80, s25;
	[tilespmem:s24+$0xFFFFFFB0] =	vst v0;
	v0 =	vmul.f32 $8.000000000e+00, v1  }
0x67: {  	p1 =	seq.s32 s22, $0x3F;
	[tilespmem:s24+$0x30] =	vst v2;
	v1 =	vmul.f32 $8.000000000e+00, v3  }
0x68: {  	s30 =	sadd.s32 s4, s25;
	s25 =	smul.u32 @!p1 $0x640, s22;
	v2 =	vmul.f32 $8.000000000e+00, v4;
	[tilespmem:s24+$0xB0] =	vst v0  }
0x69: {  	[tilespmem:s24+$0x130] =	vst v1  }
0x6a: {  	[tilespmem:s24+$0xFFFFFE30] =	vst v2;
	s24 =	sshra.s32 @!p1 s25, $0x2  }
0x6b: {  	[hbm4b:s30+s2] =	stream.linear.scatter [tilespmem:s16], [sflag:$0x3], $0x6400, $0x38;
	[tilespmem:$0x1F400] =	vst v63  }
0x6c: {  	s26 =	simm.s32 @!p1 $0x68;
	s28 =	simm.s32 @!p1 $0x6400;
	s25 =	sadd.s32 @!p1 $0x190, s24  }
0x6d: {  	[tilespmem:s28], [sflag:$0x1] =	stream.indirect.gather @!p1 [hbm4b:s3+s26], $0x80, s25, s26, $0xb8;
	[tilespmem:$0x1F400] =	vst v63  }
0x6e: {  	s24 =	sadd.s32 @!p1 $0x1F8, s24;
	s25 =	simm.s32 @!p1 $0x60;
	s26 =	simm.s32 @!p1 $0x9800  }
0x6f: {  	[tilespmem:s26], [sflag:$0x1] =	stream.indirect.gather @!p1 [hbm4b:s3+s25], $0x80, s24, s25, $0xb8;
	[tilespmem:$0x1F400] =	vst v63  }
0x70: {  	_ =	swait.ge [sflag:s17], $0x3400  }
0x71: {  	[sflag:s17] =	ssyncset.done $0x0  }
0x72: {  	[sflag:s17] =	ssyncadd.s32 $0xFFFFCC00  }
0x73: {  	_ =	swait.ge [sflag:s17], $0x3000  }
0x74: {  	[sflag:s17] =	ssyncset.done $0x0  }
0x75: {  	s24 =	simm.s32 @!p0 $0x4;
	[sflag:s17] =	ssyncadd.s32 $0xFFFFD000  }
0x76: {  	_ =	swait.ge @!p0 [sflag:s24], $0x6400  }
0x77: {  	[sflag:s24] =	ssyncset.done @!p0 $0x0  }
0x78: {  	s31 =	simm.s32 $0xCA00;
	[sflag:s24] =	ssyncadd.s32 @!p0 $0xFFFF9C00  }
0x79: {  	v0 =	vld [tilespmem:s31+$0x180]  }
0x7a: {  	v1 =	vld [tilespmem:s31+$0xFFFFFE80]  }
0x7b: {  	v2 =	vld [tilespmem:s31+$0xFFFFFF00]  }
0x7c: {  	v3 =	vld [tilespmem:s31+$0xFFFFFF80]  }
0x7d: {  	v4 =	vld [tilespmem:s31+$0x0]  }
0x7e: {  	v5 =	vld [tilespmem:s31+$0x80];
	v0 =	vmul.f32 $8.000000000e+00, v0  }
0x7f: {  	s24 =	simm.s32 $0x19200;
	v6 =	vld [tilespmem:s31+$0x100];
	v1 =	vmul.f32 $8.000000000e+00, v1  }
0x80: {  	v7 =	vld [tilespmem:s31+$0xFFFFFE00];
	v2 =	vmul.f32 $8.000000000e+00, v2;
	[tilespmem:s24+$0x180] =	vst v0  }
0x81: {  	[tilespmem:s24+$0xFFFFFE80] =	vst v1;
	v0 =	vmul.f32 $8.000000000e+00, v3;
	v1 =	vld [tilespmem:s31+$0x190]  }
0x82: {  	[tilespmem:s24+$0xFFFFFF00] =	vst v2;
	v2 =	vmul.f32 $8.000000000e+00, v4;
	v3 =	vld [tilespmem:s31+$0xFFFFFE90]  }
0x83: {  	v4 =	vld [tilespmem:s31+$0xFFFFFF10];
	[tilespmem:s24+$0xFFFFFF80] =	vst v0;
	v0 =	vmul.f32 $8.000000000e+00, v5  }
0x84: {  	[tilespmem:s24+$0x0] =	vst v2;
	v2 =	vmul.f32 $8.000000000e+00, v6;
	v5 =	vld [tilespmem:s31+$0xFFFFFF90]  }
0x85: {  	v6 =	vmul.f32 $8.000000000e+00, v7;
	v7 =	vld [tilespmem:s31+$0x10];
	[tilespmem:s24+$0x80] =	vst v0  }
0x86: {  	[tilespmem:s24+$0x100] =	vst v2;
	v0 =	vld [tilespmem:s31+$0x90];
	v1 =	vmul.f32 $8.000000000e+00, v1  }
0x87: {  	[tilespmem:s24+$0xFFFFFE00] =	vst v6;
	v2 =	vmul.f32 $8.000000000e+00, v3;
	v3 =	vld [tilespmem:s31+$0x110]  }
0x88: {  	v6 =	vld [tilespmem:s31+$0xFFFFFE10];
	v4 =	vmul.f32 $8.000000000e+00, v4;
	[tilespmem:s24+$0x190] =	vst v1  }
0x89: {  	[tilespmem:s24+$0xFFFFFE90] =	vst v2;
	v1 =	vmul.f32 $8.000000000e+00, v5;
	v2 =	vld [tilespmem:s31+$0x1A0]  }
0x8a: {  	[tilespmem:s24+$0xFFFFFF10] =	vst v4;
	v4 =	vmul.f32 $8.000000000e+00, v7;
	v5 =	vld [tilespmem:s31+$0xFFFFFEA0]  }
0x8b: {  	v7 =	vld [tilespmem:s31+$0xFFFFFF20];
	[tilespmem:s24+$0xFFFFFF90] =	vst v1;
	v0 =	vmul.f32 $8.000000000e+00, v0  }
0x8c: {  	[tilespmem:s24+$0x10] =	vst v4;
	v1 =	vld [tilespmem:s31+$0xFFFFFFA0];
	v3 =	vmul.f32 $8.000000000e+00, v3  }
0x8d: {  	v4 =	vmul.f32 $8.000000000e+00, v6;
	v6 =	vld [tilespmem:s31+$0x20];
	[tilespmem:s24+$0x90] =	vst v0  }
0x8e: {  	v0 =	vld [tilespmem:s31+$0xA0];
	[tilespmem:s24+$0x110] =	vst v3;
	v2 =	vmul.f32 $8.000000000e+00, v2  }
0x8f: {  	[tilespmem:s24+$0xFFFFFE10] =	vst v4;
	v3 =	vmul.f32 $8.000000000e+00, v5;
	v4 =	vld [tilespmem:s31+$0x120]  }
0x90: {  	v5 =	vld [tilespmem:s31+$0xFFFFFE20];
	v7 =	vmul.f32 $8.000000000e+00, v7;
	[tilespmem:s24+$0x1A0] =	vst v2  }
0x91: {  	[tilespmem:s24+$0xFFFFFEA0] =	vst v3;
	v1 =	vmul.f32 $8.000000000e+00, v1;
	v3 =	vld [tilespmem:s31+$0x1B0]  }
0x92: {  	[tilespmem:s24+$0xFFFFFF20] =	vst v7;
	v2 =	vmul.f32 $8.000000000e+00, v6;
	v8 =	vld [tilespmem:s31+$0xFFFFFEB0]  }
0x93: {  	v7 =	vld [tilespmem:s31+$0xFFFFFF30];
	[tilespmem:s24+$0xFFFFFFA0] =	vst v1;
	v1 =	vmul.f32 $8.000000000e+00, v0  }
0x94: {  	[tilespmem:s24+$0x20] =	vst v2;
	v0 =	vld [tilespmem:s31+$0xFFFFFFB0];
	v4 =	vmul.f32 $8.000000000e+00, v4  }
0x95: {  	v5 =	vmul.f32 $8.000000000e+00, v5;
	v2 =	vld [tilespmem:s31+$0x30];
	[tilespmem:s24+$0xA0] =	vst v1  }
0x96: {  	v1 =	vld [tilespmem:s31+$0xB0];
	[tilespmem:s24+$0x120] =	vst v4;
	v9 =	vmul.f32 $8.000000000e+00, v3  }
0x97: {  	[tilespmem:s24+$0xFFFFFE20] =	vst v5;
	v3 =	vld [tilespmem:s31+$0x130];
	v6 =	vmul.f32 $8.000000000e+00, v8  }
0x98: {  	s25 =	simm.s32 $0x0;
	s26 =	simm.s32 $0xCE00;
	v4 =	vld [tilespmem:s31+$0xFFFFFE30];
	v5 =	vmul.f32 $8.000000000e+00, v7;
	[tilespmem:s24+$0x1B0] =	vst v9  }
.LBB2_5:
0x99: {  	v7 =	vld [tilespmem:s26+$0x180];
	s25 =	sadd.s32 $0x8, s25;
	[tilespmem:s24+$0xFFFFFEB0] =	vst v6;
	v0 =	vmul.f32 $8.000000000e+00, v0  }
0x9a: {  	v6 =	vld [tilespmem:s26+$0xFFFFFE80];
	p0 =	slt.u32 s25, $0xC0;
	[tilespmem:s24+$0xFFFFFF30] =	vst v5;
	v2 =	vmul.f32 $8.000000000e+00, v2  }
0x9b: {  	v5 =	vld [tilespmem:s26+$0xFFFFFF00];
	[tilespmem:s24+$0xFFFFFFB0] =	vst v0;
	v0 =	vmul.f32 $8.000000000e+00, v1  }
0x9c: {  	v1 =	vld [tilespmem:s26+$0xFFFFFF80];
	[tilespmem:s24+$0x30] =	vst v2;
	v2 =	vmul.f32 $8.000000000e+00, v3  }
0x9d: {  	v3 =	vld [tilespmem:s26+$0x0];
	v4 =	vmul.f32 $8.000000000e+00, v4;
	[tilespmem:s24+$0xB0] =	vst v0  }
0x9e: {  	v0 =	vld [tilespmem:s26+$0x80];
	v7 =	vmul.f32 $8.000000000e+00, v7;
	[tilespmem:s24+$0x130] =	vst v2  }
0x9f: {  	v2 =	vmul.f32 $8.000000000e+00, v6;
	v6 =	vld [tilespmem:s26+$0x100];
	[tilespmem:s24+$0xFFFFFE30] =	vst v4;
	s24 =	sadd.s32 $0x400, s24  }
0xa0: {  	v4 =	vld [tilespmem:s26+$0xFFFFFE00];
	v5 =	vmul.f32 $8.000000000e+00, v5;
	[tilespmem:s24+$0x180] =	vst v7  }
0xa1: {  	[tilespmem:s24+$0xFFFFFE80] =	vst v2;
	v1 =	vmul.f32 $8.000000000e+00, v1;
	v2 =	vld [tilespmem:s26+$0x190]  }
0xa2: {  	v7 =	vld [tilespmem:s26+$0xFFFFFE90];
	[tilespmem:s24+$0xFFFFFF00] =	vst v5;
	v3 =	vmul.f32 $8.000000000e+00, v3  }
0xa3: {  	v5 =	vld [tilespmem:s26+$0xFFFFFF10];
	[tilespmem:s24+$0xFFFFFF80] =	vst v1;
	v0 =	vmul.f32 $8.000000000e+00, v0  }
0xa4: {  	v1 =	vld [tilespmem:s26+$0xFFFFFF90];
	[tilespmem:s24+$0x0] =	vst v3;
	v3 =	vmul.f32 $8.000000000e+00, v6  }
0xa5: {  	v4 =	vmul.f32 $8.000000000e+00, v4;
	v6 =	vld [tilespmem:s26+$0x10];
	[tilespmem:s24+$0x80] =	vst v0  }
0xa6: {  	v0 =	vld [tilespmem:s26+$0x90];
	[tilespmem:s24+$0x100] =	vst v3;
	v2 =	vmul.f32 $8.000000000e+00, v2  }
0xa7: {  	[tilespmem:s24+$0xFFFFFE00] =	vst v4;
	v3 =	vmul.f32 $8.000000000e+00, v7;
	v4 =	vld [tilespmem:s26+$0x110]  }
0xa8: {  	v7 =	vld [tilespmem:s26+$0xFFFFFE10];
	v5 =	vmul.f32 $8.000000000e+00, v5;
	[tilespmem:s24+$0x190] =	vst v2  }
0xa9: {  	[tilespmem:s24+$0xFFFFFE90] =	vst v3;
	v1 =	vmul.f32 $8.000000000e+00, v1;
	v2 =	vld [tilespmem:s26+$0x1A0]  }
0xaa: {  	v3 =	vld [tilespmem:s26+$0xFFFFFEA0];
	[tilespmem:s24+$0xFFFFFF10] =	vst v5;
	v5 =	vmul.f32 $8.000000000e+00, v6  }
0xab: {  	v6 =	vld [tilespmem:s26+$0xFFFFFF20];
	[tilespmem:s24+$0xFFFFFF90] =	vst v1;
	v0 =	vmul.f32 $8.000000000e+00, v0  }
0xac: {  	v1 =	vld [tilespmem:s26+$0xFFFFFFA0];
	[tilespmem:s24+$0x10] =	vst v5;
	v4 =	vmul.f32 $8.000000000e+00, v4  }
0xad: {  	v5 =	vmul.f32 $8.000000000e+00, v7;
	v7 =	vld [tilespmem:s26+$0x20];
	[tilespmem:s24+$0x90] =	vst v0  }
0xae: {  	v0 =	vld [tilespmem:s26+$0xA0];
	[tilespmem:s24+$0x110] =	vst v4;
	v2 =	vmul.f32 $8.000000000e+00, v2  }
0xaf: {  	[tilespmem:s24+$0xFFFFFE10] =	vst v5;
	v3 =	vmul.f32 $8.000000000e+00, v3;
	v4 =	vld [tilespmem:s26+$0x120]  }
0xb0: {  	v5 =	vld [tilespmem:s26+$0xFFFFFE20];
	v6 =	vmul.f32 $8.000000000e+00, v6;
	[tilespmem:s24+$0x1A0] =	vst v2  }
0xb1: {  	[tilespmem:s24+$0xFFFFFEA0] =	vst v3;
	v1 =	vmul.f32 $8.000000000e+00, v1;
	v3 =	vld [tilespmem:s26+$0x1B0]  }
0xb2: {  	v8 =	vld [tilespmem:s26+$0xFFFFFEB0];
	[tilespmem:s24+$0xFFFFFF20] =	vst v6;
	v2 =	vmul.f32 $8.000000000e+00, v7  }
0xb3: {  	v7 =	vld [tilespmem:s26+$0xFFFFFF30];
	[tilespmem:s24+$0xFFFFFFA0] =	vst v1;
	v1 =	vmul.f32 $8.000000000e+00, v0  }
.Ltmp1:
0xb4: {  	v0 =	vld [tilespmem:s26+$0xFFFFFFB0];
	[tilespmem:s24+$0x20] =	vst v2;
	v4 =	vmul.f32 $8.000000000e+00, v4;
	(pc) =	sbr.rel @p0 .LBB2_5-.Ltmp1, $4  }
0xb5: {  	v5 =	vmul.f32 $8.000000000e+00, v5;
	v2 =	vld [tilespmem:s26+$0x30];
	[tilespmem:s24+$0xA0] =	vst v1  }
0xb6: {  	v1 =	vld [tilespmem:s26+$0xB0];
	[tilespmem:s24+$0x120] =	vst v4;
	v9 =	vmul.f32 $8.000000000e+00, v3  }
0xb7: {  	[tilespmem:s24+$0xFFFFFE20] =	vst v5;
	v6 =	vmul.f32 $8.000000000e+00, v8;
	v3 =	vld [tilespmem:s26+$0x130]  }
0xb8: {  	v4 =	vld [tilespmem:s26+$0xFFFFFE30];
	v5 =	vmul.f32 $8.000000000e+00, v7;
	[tilespmem:s24+$0x1B0] =	vst v9;
	s26 =	sadd.s32 $0x400, s26  }
0xb9: {  	[tilespmem:s24+$0xFFFFFEB0] =	vst v6;
	v0 =	vmul.f32 $8.000000000e+00, v0  }
0xba: {  	s22 =	sadd.s32 $0x1, s22;
	[tilespmem:s24+$0xFFFFFF30] =	vst v5;
	v2 =	vmul.f32 $8.000000000e+00, v2  }
0xbb: {  	p0 =	sne.s32 s22, $0x40;
	[tilespmem:s24+$0xFFFFFFB0] =	vst v0;
	v61 =	vmul.f32 $8.000000000e+00, v1  }
.Ltmp2:
0xbc: {  	s23 =	sadd.s32 s5, s23;
	[tilespmem:s24+$0x30] =	vst v2;
	v62 =	vmul.f32 $8.000000000e+00, v3;
	(pc) =	sbr.rel @p0 .LBB2_2-.Ltmp2, $4  }
0xbd: {  	s23 =	smul.u32 $0xC80, s23;
	v63 =	vmul.f32 $8.000000000e+00, v4;
	[tilespmem:s24+$0xB0] =	vst v61  }
0xbe: {  	[tilespmem:s24+$0x130] =	vst v62  }
0xbf: {  	s23 =	sadd.s32 s4, s23;
	[tilespmem:s24+$0xFFFFFE30] =	vst v63  }
0xc0: {  	[hbm4b:s23+s2] =	stream.linear.scatter [tilespmem:s18], [sflag:$0x4], $0x6400, $0x38;
	[tilespmem:$0x1F400] =	vst v63  }
0xc1: {  	s21 =	sadd.s32 $0x1, s21  }
0xc2: {  	_ =	swait.ge [sflag:s19], $0x6400;
	p0 =	sne.s32 s21, s7  }
.Ltmp3:
0xc3: {  	[sflag:s19] =	ssyncset.done $0x0;
	(pc) =	sbr.rel @p0 .LBB2_1-.Ltmp3, $4  }
0xc4: {  	[sflag:s19] =	ssyncadd.s32 $0xFFFF9C00  }
0xc5: {  	_ =	swait.ge [sflag:s20], $0x6400  }
0xc6: {  	[sflag:s20] =	ssyncset.done $0x0  }
0xc7: {  	[sflag:s20] =	ssyncadd.s32 $0xFFFF9C00  }
0xc8: {  	_ =	sfence.sel $0x180000  }
0xc9: {  	[bflag:$0x0] =	sbarrier.arrive $0xFFFF  }
0xca: {  	p0 =	sne.s32 s1, $0x0;
	_ =	strace $0x90000047  }
0xcb: {  	s0 =	sadd.s32 @!p0 $0x100000, s0;
	[bflag:$0x2] =	sbarrier.arrive $0xFFFF  }
0xcc: {  	[sflag:s0] =	ssyncadd.tile.s32 @!p0 $0x1;
	_ =	shalt  }
.Lfunc_end2:
_tile_overlayer_lowered:
.L_overlay_start_2:
0xcd: {  	(tag) =	ssettag $0x2  }
0xce: {  	s0 =	rddreg [dreg:$0x0];
	s2 =	stileid.u32  }
0xcf: {  	s1 =	rddreg [dreg:$0x1];
	p0 =	sne.s32 s2, $0x0  }
0xd0: {  	s3 =	rddreg [dreg:$0x2];
	[bflag:$0x3] =	sbarrier.arrive $0xFFFF;
	s2 =	simm.s32 @!p0 $0x1C05  }
0xd1: {  	[timem:s3], [sflag:s2] =	dma.local @!p0 [hbm:s0], s1  }
0xd2: {  	s0 =	simm.s32 @!p0 $0x5  }
0xd3: {  	_ =	swait.ge @!p0 [sflag:s0], s1  }
0xd4: {  	s1 =	ssub.s32 @!p0 $0x0, s1;
	[sflag:s0] =	ssyncset.done @!p0 $0x0  }
0xd5: {  	[sflag:s0] =	ssyncadd.s32 @!p0 s1  }
0xd6: {  	[bflag:$0x3] =	sbarrier.arrive $0xFFFF  }
0xd7: {  	_ =	shalt  }

</sc_bundles>
